<compile_context>
chip_gen: v7x
topology: tpu7x:2x2x1
jax: 0.10.2.dev20260603
libtpu: 0.0.44.dev20260713+nightly
codegen_flags: <defaults>
</compile_context>

<pallas_src>
import functools

import jax
import jax.numpy as jnp
from jax import lax
from jax.experimental import pallas as pl
from jax.experimental.pallas import tpu as pltpu
from jax.experimental.pallas import tpu_sc as plsc

NUM_CORES = 2
NUM_SUBCORES = 16
NW = NUM_CORES * NUM_SUBCORES
CHUNK = 16
NBUF = 7


@functools.lru_cache(maxsize=None)
def _make_sc_gather(b: int, s: int, d: int):
    n_rows = b * s
    n_per_w = n_rows // NW
    n_chunks = n_per_w // CHUNK
    mesh = plsc.VectorSubcoreMesh(core_axis_name="c", subcore_axis_name="s")

    @functools.partial(
        pl.kernel,
        mesh=mesh,
        out_type=jax.ShapeDtypeStruct((n_rows, d), jnp.float32),
        scratch_types=[
            pltpu.VMEM((n_per_w,), jnp.int32),
            pltpu.VMEM((NBUF, CHUNK, d), jnp.float32),
            pltpu.SemaphoreType.DMA((NBUF,)),
            pltpu.SemaphoreType.DMA((NBUF,)),
            pltpu.SemaphoreType.DMA,
        ],
    )
    def k(idx_hbm, table_hbm, out_hbm, idx_v, rows_v, gsem, wsem, isem):
        wid = lax.axis_index("s") * NUM_CORES + lax.axis_index("c")
        base = wid * n_per_w
        head = 128
        row, col = base // s, base % s
        pltpu.sync_copy(idx_hbm.at[row, pl.ds(col, head)],
                        idx_v.at[pl.ds(0, head)])
        rest = pltpu.async_copy(
            idx_hbm.at[row, pl.ds(col + head, n_per_w - head)],
            idx_v.at[pl.ds(head, n_per_w - head)], isem)

        def gather(c, buf):
            return pltpu.make_async_copy(
                table_hbm.at[idx_v.at[pl.ds(c * CHUNK, CHUNK)]],
                rows_v.at[buf], gsem.at[buf])

        def write(c, buf):
            return pltpu.make_async_copy(
                rows_v.at[buf],
                out_hbm.at[pl.ds(base + c * CHUNK, CHUNK)], wsem.at[buf])

        def prime(c, _):
            gather(c, c).start()
            return 0

        lax.fori_loop(0, NBUF, prime, 0)
        rest.wait()
        gather(0, 0).wait()
        write(0, 0).start()

        def body(c, _):
            buf = lax.rem(c, NBUF)
            gather(c, buf).wait()
            write(c, buf).start()
            pbuf = lax.rem(c - 1, NBUF)
            write(c - 1, pbuf).wait()
            gather(c - 1 + NBUF, pbuf).start()
            return 0

        lax.fori_loop(1, n_chunks - NBUF + 1, body, 0)

        def tail(c, _):
            buf = lax.rem(c, NBUF)
            gather(c, buf).wait()
            write(c, buf).start()
            return 0

        lax.fori_loop(n_chunks - NBUF + 1, n_chunks, tail, 0)

        def drain(c, _):
            write(c, lax.rem(c, NBUF)).wait()
            return 0

        lax.fori_loop(n_chunks - NBUF, n_chunks, drain, 0)

    return k


def kernel(input_ids, W):
    if input_ids.dtype != jnp.int32:
        input_ids = input_ids.astype(jnp.int32)
    b, s = input_ids.shape
    out = _make_sc_gather(b, s, W.shape[1])(input_ids, W)
    return out.reshape(b, s, W.shape[1])

# --- scband reference (transcript-rebuilt; emitter-appended) ---
"""Pipeline reference for scband-caduceus-embeddings-15358803050511 (READ-ONLY COPY).

The authoritative reference and input builder live on the scoring server;
editing this copy changes nothing except your own understanding.
"""

import jax, jax.numpy as jnp
import numpy as np

VOCAB = 100000
D_MODEL = 1024
BATCH = 4
SEQLEN = 8192

def setup_inputs(seed: int = 0) -> dict:
    key = jax.random.key(seed)
    k_ids, k_w = jax.random.split(key)
    input_ids = jax.random.randint(k_ids, (BATCH, SEQLEN), 0, VOCAB, dtype=jnp.int64 if jax.config.jax_enable_x64 else jnp.int32)
    # Embedding table, initialized like nn.Embedding (N(0,1))
    W = jax.random.normal(k_w, (VOCAB, D_MODEL), dtype=jnp.float32)
    return {"input_ids": input_ids, "W": W}

def reference(input_ids, W):
    # CaduceusEmbeddings with rcps=False is a plain nn.Embedding lookup:
    # out[b, s, :] = W[input_ids[b, s], :]
    return jnp.take(W, input_ids, axis=0)

if __name__ == "__main__":
    import jax
    _d = setup_inputs()
    print(jax.jit(kernel)(*tuple(_d.values())))

</pallas_src>

<mosaic_0001>
#map = affine_map<(d0, d1) -> (0, 0)>
module attributes {stable_mosaic.version = 14 : i64} {
  func.func @k(%arg0: i32, %arg1: i32, %arg2: memref<4x8192xi32, #tpu.memory_space<hbm>>, %arg3: memref<100000x1024xf32, #tpu.memory_space<hbm>>, %arg4: memref<32768x1024xf32, #tpu.memory_space<hbm>>, %arg5: memref<1024xi32, #tpu.memory_space<vmem>>, %arg6: memref<7x16x1024xf32, #tpu.memory_space<vmem>>, %arg7: memref<7x!tpu.dma_semaphore, #tpu.memory_space<semaphore_mem>>, %arg8: memref<7x!tpu.dma_semaphore, #tpu.memory_space<semaphore_mem>>, %arg9: memref<!tpu.dma_semaphore, #tpu.memory_space<semaphore_mem>>) attributes {dimension_semantics = [#tpu.dimension_semantics<core_parallel>, #tpu.dimension_semantics<subcore_parallel>], iteration_bounds = array<i64: 2, 16>, scalar_prefetch = 0 : i64, scratch_operands = 5 : i64, tpu.core_type = #tpu.core_type<sc_vector_subcore>, window_params = [{transform_indices = #map}, {transform_indices = #map}, {transform_indices = #map}]} {
    %mul3A = arith.constant 2 : i32
    %mul3A_0 = arith.muli %arg1, %mul3A : i32
    %add3A = arith.addi %mul3A_0, %arg0 : i32
    %mul3A_1 = arith.constant 1024 : i32
    %mul3A_2 = arith.muli %add3A, %mul3A_1 : i32
    %jit3A = arith.constant 8192 : i32
    %div3A = arith.divsi %mul3A_2, %jit3A : i32
    %sign3A = arith.constant 0 : i32
    %sign3A_3 = arith.cmpi sgt, %mul3A_2, %sign3A : i32
    %sign3A_4 = arith.extui %sign3A_3 : i1 to i32
    %sign3A_5 = arith.constant 0 : i32
    %sign3A_6 = arith.cmpi slt, %mul3A_2, %sign3A_5 : i32
    %sign3A_7 = arith.extui %sign3A_6 : i1 to i32
    %sign3A_8 = arith.subi %sign3A_4, %sign3A_7 : i32
    %sign3A_9 = arith.constant 0 : i32
    %sign3A_10 = arith.cmpi sgt, %jit3A, %sign3A_9 : i32
    %sign3A_11 = arith.extui %sign3A_10 : i1 to i32
    %sign3A_12 = arith.constant 0 : i32
    %sign3A_13 = arith.cmpi slt, %jit3A, %sign3A_12 : i32
    %sign3A_14 = arith.extui %sign3A_13 : i1 to i32
    %sign3A_15 = arith.subi %sign3A_11, %sign3A_14 : i32
    %ne3A = arith.cmpi ne, %sign3A_8, %sign3A_15 : i32
    %rem3A = arith.remsi %mul3A_2, %jit3A : i32
    %ne3A_16 = arith.constant 0 : i32
    %ne3A_17 = arith.cmpi ne, %rem3A, %ne3A_16 : i32
    %and3A = arith.andi %ne3A, %ne3A_17 : i1
    %sub3A = arith.constant 1 : i32
    %sub3A_18 = arith.subi %div3A, %sub3A : i32
    %select_n3A = arith.select %and3A, %sub3A_18, %div3A : i32
    %jit3A_19 = arith.constant 8192 : i32
    %eq3A = arith.constant 0 : i32
    %eq3A_20 = arith.cmpi eq, %jit3A_19, %eq3A : i32
    %jit3A_21 = arith.constant 1 : i32
    %select_n3A_22 = arith.select %eq3A_20, %jit3A_21, %jit3A_19 : i32
    %rem3A_23 = arith.remsi %mul3A_2, %select_n3A_22 : i32
    %ne3A_24 = arith.constant 0 : i32
    %ne3A_25 = arith.cmpi ne, %rem3A_23, %ne3A_24 : i32
    %lt3A = arith.constant 0 : i32
    %lt3A_26 = arith.cmpi slt, %rem3A_23, %lt3A : i32
    %lt3A_27 = arith.constant 0 : i32
    %lt3A_28 = arith.cmpi slt, %select_n3A_22, %lt3A_27 : i32
    %ne3A_29 = arith.xori %lt3A_26, %lt3A_28 : i1
    %and3A_30 = arith.andi %ne3A_29, %ne3A_25 : i1
    %add3A_31 = arith.addi %rem3A_23, %select_n3A_22 : i32
    %select_n3A_32 = arith.select %and3A_30, %add3A_31, %rem3A_23 : i32
    "tpu.region"() ({
      %run_scoped3A = tpu.sem_alloc : memref<!tpu.dma_semaphore, #tpu.memory_space<semaphore_mem>>
      %dma_start3A_107 = arith.constant 0 : i32
      %dma_start3A_108 = tpu.memref_slice %arg5[%dma_start3A_107] : memref<1024xi32, #tpu.memory_space<vmem>> -> memref<128xi32, #tpu.memory_space<vmem>>
      %dma_start3A_109 = tpu.memref_slice %arg2[%select_n3A, %select_n3A_32] : memref<4x8192xi32, #tpu.memory_space<hbm>> -> memref<1x128xi32, #tpu.memory_space<hbm>>
      %dma_start3A_110 = tpu.memref_squeeze %dma_start3A_109 : memref<1x128xi32, #tpu.memory_space<hbm>> -> memref<128xi32, #tpu.memory_space<hbm>>
      %dma_start3A_111 = arith.constant 0 : i32
      %dma_start3A_112 = tpu.memref_slice %arg5[%dma_start3A_111] : memref<1024xi32, #tpu.memory_space<vmem>> -> memref<128xi32, #tpu.memory_space<vmem>>
      %dma_start3A_113 = tpu.memref_slice %arg2[%select_n3A, %select_n3A_32] : memref<4x8192xi32, #tpu.memory_space<hbm>> -> memref<1x128xi32, #tpu.memory_space<hbm>>
      %dma_start3A_114 = tpu.memref_squeeze %dma_start3A_113 : memref<1x128xi32, #tpu.memory_space<hbm>> -> memref<128xi32, #tpu.memory_space<hbm>>
      tpu.enqueue_dma source(%dma_start3A_114 : memref<128xi32, #tpu.memory_space<hbm>>) target(%dma_start3A_112 : memref<128xi32, #tpu.memory_space<vmem>>) target_semaphore(%run_scoped3A : memref<!tpu.dma_semaphore, #tpu.memory_space<semaphore_mem>>)
      %dma_wait3A_115 = arith.constant 0 : i32
      %dma_wait3A_116 = tpu.memref_slice %arg5[%dma_wait3A_115] : memref<1024xi32, #tpu.memory_space<vmem>> -> memref<128xi32, #tpu.memory_space<vmem>>
      %dma_wait3A_117 = tpu.memref_slice %arg2[%select_n3A, %select_n3A_32] : memref<4x8192xi32, #tpu.memory_space<hbm>> -> memref<1x128xi32, #tpu.memory_space<hbm>>
      %dma_wait3A_118 = tpu.memref_squeeze %dma_wait3A_117 : memref<1x128xi32, #tpu.memory_space<hbm>> -> memref<128xi32, #tpu.memory_space<hbm>>
      %dma_wait3A_119 = arith.constant 0 : i32
      %dma_wait3A_120 = tpu.memref_slice %arg5[%dma_wait3A_119] : memref<1024xi32, #tpu.memory_space<vmem>> -> memref<128xi32, #tpu.memory_space<vmem>>
      %dma_wait3A_121 = tpu.memref_slice %arg2[%select_n3A, %select_n3A_32] : memref<4x8192xi32, #tpu.memory_space<hbm>> -> memref<1x128xi32, #tpu.memory_space<hbm>>
      %dma_wait3A_122 = tpu.memref_squeeze %dma_wait3A_121 : memref<1x128xi32, #tpu.memory_space<hbm>> -> memref<128xi32, #tpu.memory_space<hbm>>
      tpu.wait_dma2 semaphore(%run_scoped3A : memref<!tpu.dma_semaphore, #tpu.memory_space<semaphore_mem>>) src(%dma_wait3A_122 : memref<128xi32, #tpu.memory_space<hbm>>) dst(%dma_wait3A_120 : memref<128xi32, #tpu.memory_space<vmem>>)
      tpu.yield
    }) : () -> ()
    %add3A_33 = arith.constant 128 : i32
    %add3A_34 = arith.addi %select_n3A_32, %add3A_33 : i32
    %dma_start3A = arith.constant 128 : i32
    %dma_start3A_35 = tpu.memref_slice %arg5[%dma_start3A] : memref<1024xi32, #tpu.memory_space<vmem>> -> memref<896xi32, #tpu.memory_space<vmem>>
    %dma_start3A_36 = tpu.memref_slice %arg2[%select_n3A, %add3A_34] : memref<4x8192xi32, #tpu.memory_space<hbm>> -> memref<1x896xi32, #tpu.memory_space<hbm>>
    %dma_start3A_37 = tpu.memref_squeeze %dma_start3A_36 : memref<1x896xi32, #tpu.memory_space<hbm>> -> memref<896xi32, #tpu.memory_space<hbm>>
    %dma_start3A_38 = arith.constant 128 : i32
    %dma_start3A_39 = tpu.memref_slice %arg5[%dma_start3A_38] : memref<1024xi32, #tpu.memory_space<vmem>> -> memref<896xi32, #tpu.memory_space<vmem>>
    %dma_start3A_40 = tpu.memref_slice %arg2[%select_n3A, %add3A_34] : memref<4x8192xi32, #tpu.memory_space<hbm>> -> memref<1x896xi32, #tpu.memory_space<hbm>>
    %dma_start3A_41 = tpu.memref_squeeze %dma_start3A_40 : memref<1x896xi32, #tpu.memory_space<hbm>> -> memref<896xi32, #tpu.memory_space<hbm>>
    tpu.enqueue_dma source(%dma_start3A_41 : memref<896xi32, #tpu.memory_space<hbm>>) target(%dma_start3A_39 : memref<896xi32, #tpu.memory_space<vmem>>) target_semaphore(%arg9 : memref<!tpu.dma_semaphore, #tpu.memory_space<semaphore_mem>>)
    %scan3A = arith.constant 0 : i32
    %scan3A_42 = arith.constant 0 : i32
    %scan3A_43 = arith.constant 7 : i32
    %scan3A_44 = arith.addi %scan3A_42, %scan3A_43 : i32
    %scan3A_45 = arith.constant 1 : i32
    %scan3A_46 = scf.for %scan3A_107 = %scan3A_42 to %scan3A_44 step %scan3A_45 iter_args(%scan3A_108 = %scan3A) -> (i32)  : i32 {
      %mul3A_109 = arith.constant 16 : i32
      %mul3A_110 = arith.muli %scan3A_107, %mul3A_109 : i32
      %dma_start3A_111 = arith.constant 0 : i32
      %dma_start3A_112 = arith.constant 0 : i32
      %dma_start3A_113 = tpu.memref_slice %arg6[%scan3A_107, %dma_start3A_111, %dma_start3A_112] : memref<7x16x1024xf32, #tpu.memory_space<vmem>> -> memref<1x16x1024xf32, #tpu.memory_space<vmem>>
      %dma_start3A_114 = tpu.memref_squeeze %dma_start3A_113 : memref<1x16x1024xf32, #tpu.memory_space<vmem>> -> memref<16x1024xf32, #tpu.memory_space<vmem>>
      %dma_start3A_115 = tpu.memref_slice %arg5[%mul3A_110] : memref<1024xi32, #tpu.memory_space<vmem>> -> memref<16xi32, #tpu.memory_space<vmem>>
      %dma_start3A_116 = arith.constant 0 : i32
      %dma_start3A_117 = arith.constant 0 : i32
      %dma_start3A_118 = tpu.memref_slice %arg3[%dma_start3A_116, %dma_start3A_117] : memref<100000x1024xf32, #tpu.memory_space<hbm>> -> memref<100000x1024xf32, #tpu.memory_space<hbm>>
      %dma_start3A_119 = tpu.memref_slice %arg7[%scan3A_107] : memref<7x!tpu.dma_semaphore, #tpu.memory_space<semaphore_mem>> -> memref<1x!tpu.dma_semaphore, #tpu.memory_space<semaphore_mem>>
      %dma_start3A_120 = tpu.memref_squeeze %dma_start3A_119 : memref<1x!tpu.dma_semaphore, #tpu.memory_space<semaphore_mem>> -> memref<!tpu.dma_semaphore, #tpu.memory_space<semaphore_mem>>
      tpu.enqueue_indirect_dma source(%dma_start3A_118 : memref<100000x1024xf32, #tpu.memory_space<hbm>>) target(%dma_start3A_114 : memref<16x1024xf32, #tpu.memory_space<vmem>>) offsets(%dma_start3A_115 : memref<16xi32, #tpu.memory_space<vmem>>) semaphore(%dma_start3A_120 : memref<!tpu.dma_semaphore, #tpu.memory_space<semaphore_mem>>)
      %scan3A_121 = arith.constant 0 : i32
      scf.yield %scan3A_121 : i32
    }
    %scan3A_47 = arith.constant 7 : i32
    %dma_wait3A = arith.constant 128 : i32
    %dma_wait3A_48 = tpu.memref_slice %arg5[%dma_wait3A] : memref<1024xi32, #tpu.memory_space<vmem>> -> memref<896xi32, #tpu.memory_space<vmem>>
    %dma_wait3A_49 = tpu.memref_slice %arg2[%select_n3A, %add3A_34] : memref<4x8192xi32, #tpu.memory_space<hbm>> -> memref<1x896xi32, #tpu.memory_space<hbm>>
    %dma_wait3A_50 = tpu.memref_squeeze %dma_wait3A_49 : memref<1x896xi32, #tpu.memory_space<hbm>> -> memref<896xi32, #tpu.memory_space<hbm>>
    %dma_wait3A_51 = arith.constant 128 : i32
    %dma_wait3A_52 = tpu.memref_slice %arg5[%dma_wait3A_51] : memref<1024xi32, #tpu.memory_space<vmem>> -> memref<896xi32, #tpu.memory_space<vmem>>
    %dma_wait3A_53 = tpu.memref_slice %arg2[%select_n3A, %add3A_34] : memref<4x8192xi32, #tpu.memory_space<hbm>> -> memref<1x896xi32, #tpu.memory_space<hbm>>
    %dma_wait3A_54 = tpu.memref_squeeze %dma_wait3A_53 : memref<1x896xi32, #tpu.memory_space<hbm>> -> memref<896xi32, #tpu.memory_space<hbm>>
    tpu.wait_dma2 semaphore(%arg9 : memref<!tpu.dma_semaphore, #tpu.memory_space<semaphore_mem>>) src(%dma_wait3A_54 : memref<896xi32, #tpu.memory_space<hbm>>) dst(%dma_wait3A_52 : memref<896xi32, #tpu.memory_space<vmem>>)
    %dma_wait3A_55 = arith.constant 0 : i32
    %dma_wait3A_56 = arith.constant 0 : i32
    %dma_wait3A_57 = arith.constant 0 : i32
    %dma_wait3A_58 = arith.constant 0 : i32
    %dma_wait3A_59 = tpu.memref_slice %arg6[%dma_wait3A_55, %dma_wait3A_57, %dma_wait3A_58] : memref<7x16x1024xf32, #tpu.memory_space<vmem>> -> memref<1x16x1024xf32, #tpu.memory_space<vmem>>
    %dma_wait3A_60 = tpu.memref_squeeze %dma_wait3A_59 : memref<1x16x1024xf32, #tpu.memory_space<vmem>> -> memref<16x1024xf32, #tpu.memory_space<vmem>>
    %dma_wait3A_61 = arith.constant 0 : i32
    %dma_wait3A_62 = tpu.memref_slice %arg5[%dma_wait3A_61] : memref<1024xi32, #tpu.memory_space<vmem>> -> memref<16xi32, #tpu.memory_space<vmem>>
    %dma_wait3A_63 = arith.constant 0 : i32
    %dma_wait3A_64 = arith.constant 0 : i32
    %dma_wait3A_65 = tpu.memref_slice %arg3[%dma_wait3A_63, %dma_wait3A_64] : memref<100000x1024xf32, #tpu.memory_space<hbm>> -> memref<100000x1024xf32, #tpu.memory_space<hbm>>
    %dma_wait3A_66 = tpu.memref_slice %arg7[%dma_wait3A_56] : memref<7x!tpu.dma_semaphore, #tpu.memory_space<semaphore_mem>> -> memref<1x!tpu.dma_semaphore, #tpu.memory_space<semaphore_mem>>
    %dma_wait3A_67 = tpu.memref_squeeze %dma_wait3A_66 : memref<1x!tpu.dma_semaphore, #tpu.memory_space<semaphore_mem>> -> memref<!tpu.dma_semaphore, #tpu.memory_space<semaphore_mem>>
    tpu.wait_indirect_dma semaphore(%dma_wait3A_67 : memref<!tpu.dma_semaphore, #tpu.memory_space<semaphore_mem>>) src(%dma_wait3A_65 : memref<100000x1024xf32, #tpu.memory_space<hbm>>) dst(%dma_wait3A_60 : memref<16x1024xf32, #tpu.memory_space<vmem>>)
    %add3A_68 = arith.constant 0 : i32
    %add3A_69 = arith.addi %mul3A_2, %add3A_68 : i32
    %dma_start3A_70 = arith.constant 0 : i32
    %dma_start3A_71 = arith.constant 0 : i32
    %dma_start3A_72 = arith.constant 0 : i32
    %dma_start3A_73 = arith.constant 0 : i32
    %dma_start3A_74 = tpu.memref_slice %arg6[%dma_start3A_70, %dma_start3A_72, %dma_start3A_73] : memref<7x16x1024xf32, #tpu.memory_space<vmem>> -> memref<1x16x1024xf32, #tpu.memory_space<vmem>>
    %dma_start3A_75 = tpu.memref_squeeze %dma_start3A_74 : memref<1x16x1024xf32, #tpu.memory_space<vmem>> -> memref<16x1024xf32, #tpu.memory_space<vmem>>
    %dma_start3A_76 = arith.constant 0 : i32
    %dma_start3A_77 = tpu.memref_slice %arg4[%add3A_69, %dma_start3A_76] : memref<32768x1024xf32, #tpu.memory_space<hbm>> -> memref<16x1024xf32, #tpu.memory_space<hbm>>
    %dma_start3A_78 = tpu.memref_slice %arg8[%dma_start3A_71] : memref<7x!tpu.dma_semaphore, #tpu.memory_space<semaphore_mem>> -> memref<1x!tpu.dma_semaphore, #tpu.memory_space<semaphore_mem>>
    %dma_start3A_79 = tpu.memref_squeeze %dma_start3A_78 : memref<1x!tpu.dma_semaphore, #tpu.memory_space<semaphore_mem>> -> memref<!tpu.dma_semaphore, #tpu.memory_space<semaphore_mem>>
    %dma_start3A_80 = arith.constant 0 : i32
    %dma_start3A_81 = tpu.memref_slice %arg4[%add3A_69, %dma_start3A_80] : memref<32768x1024xf32, #tpu.memory_space<hbm>> -> memref<16x1024xf32, #tpu.memory_space<hbm>>
    %dma_start3A_82 = arith.constant 0 : i32
    %dma_start3A_83 = arith.constant 0 : i32
    %dma_start3A_84 = tpu.memref_slice %arg6[%dma_start3A_70, %dma_start3A_82, %dma_start3A_83] : memref<7x16x1024xf32, #tpu.memory_space<vmem>> -> memref<1x16x1024xf32, #tpu.memory_space<vmem>>
    %dma_start3A_85 = tpu.memref_squeeze %dma_start3A_84 : memref<1x16x1024xf32, #tpu.memory_space<vmem>> -> memref<16x1024xf32, #tpu.memory_space<vmem>>
    tpu.enqueue_dma source(%dma_start3A_85 : memref<16x1024xf32, #tpu.memory_space<vmem>>) target(%dma_start3A_81 : memref<16x1024xf32, #tpu.memory_space<hbm>>) target_semaphore(%dma_start3A_79 : memref<!tpu.dma_semaphore, #tpu.memory_space<semaphore_mem>>)
    %scan3A_86 = arith.constant 0 : i32
    %scan3A_87 = arith.constant 1 : i32
    %scan3A_88 = arith.constant 57 : i32
    %scan3A_89 = arith.addi %scan3A_87, %scan3A_88 : i32
    %scan3A_90 = arith.constant 1 : i32
    %scan3A_91 = scf.for %scan3A_107 = %scan3A_87 to %scan3A_89 step %scan3A_90 iter_args(%scan3A_108 = %scan3A_86) -> (i32)  : i32 {
      %rem3A_109 = arith.constant 7 : i32
      %rem3A_110 = arith.remsi %scan3A_107, %rem3A_109 : i32
      %mul3A_111 = arith.constant 16 : i32
      %mul3A_112 = arith.muli %scan3A_107, %mul3A_111 : i32
      %dma_wait3A_113 = arith.constant 0 : i32
      %dma_wait3A_114 = arith.constant 0 : i32
      %dma_wait3A_115 = tpu.memref_slice %arg6[%rem3A_110, %dma_wait3A_113, %dma_wait3A_114] : memref<7x16x1024xf32, #tpu.memory_space<vmem>> -> memref<1x16x1024xf32, #tpu.memory_space<vmem>>
      %dma_wait3A_116 = tpu.memref_squeeze %dma_wait3A_115 : memref<1x16x1024xf32, #tpu.memory_space<vmem>> -> memref<16x1024xf32, #tpu.memory_space<vmem>>
      %dma_wait3A_117 = tpu.memref_slice %arg5[%mul3A_112] : memref<1024xi32, #tpu.memory_space<vmem>> -> memref<16xi32, #tpu.memory_space<vmem>>
      %dma_wait3A_118 = arith.constant 0 : i32
      %dma_wait3A_119 = arith.constant 0 : i32
      %dma_wait3A_120 = tpu.memref_slice %arg3[%dma_wait3A_118, %dma_wait3A_119] : memref<100000x1024xf32, #tpu.memory_space<hbm>> -> memref<100000x1024xf32, #tpu.memory_space<hbm>>
      %dma_wait3A_121 = tpu.memref_slice %arg7[%rem3A_110] : memref<7x!tpu.dma_semaphore, #tpu.memory_space<semaphore_mem>> -> memref<1x!tpu.dma_semaphore, #tpu.memory_space<semaphore_mem>>
      %dma_wait3A_122 = tpu.memref_squeeze %dma_wait3A_121 : memref<1x!tpu.dma_semaphore, #tpu.memory_space<semaphore_mem>> -> memref<!tpu.dma_semaphore, #tpu.memory_space<semaphore_mem>>
      tpu.wait_indirect_dma semaphore(%dma_wait3A_122 : memref<!tpu.dma_semaphore, #tpu.memory_space<semaphore_mem>>) src(%dma_wait3A_120 : memref<100000x1024xf32, #tpu.memory_space<hbm>>) dst(%dma_wait3A_116 : memref<16x1024xf32, #tpu.memory_space<vmem>>)
      %mul3A_123 = arith.constant 16 : i32
      %mul3A_124 = arith.muli %scan3A_107, %mul3A_123 : i32
      %add3A_125 = arith.addi %mul3A_2, %mul3A_124 : i32
      %dma_start3A_126 = arith.constant 0 : i32
      %dma_start3A_127 = arith.constant 0 : i32
      %dma_start3A_128 = tpu.memref_slice %arg6[%rem3A_110, %dma_start3A_126, %dma_start3A_127] : memref<7x16x1024xf32, #tpu.memory_space<vmem>> -> memref<1x16x1024xf32, #tpu.memory_space<vmem>>
      %dma_start3A_129 = tpu.memref_squeeze %dma_start3A_128 : memref<1x16x1024xf32, #tpu.memory_space<vmem>> -> memref<16x1024xf32, #tpu.memory_space<vmem>>
      %dma_start3A_130 = arith.constant 0 : i32
      %dma_start3A_131 = tpu.memref_slice %arg4[%add3A_125, %dma_start3A_130] : memref<32768x1024xf32, #tpu.memory_space<hbm>> -> memref<16x1024xf32, #tpu.memory_space<hbm>>
      %dma_start3A_132 = tpu.memref_slice %arg8[%rem3A_110] : memref<7x!tpu.dma_semaphore, #tpu.memory_space<semaphore_mem>> -> memref<1x!tpu.dma_semaphore, #tpu.memory_space<semaphore_mem>>
      %dma_start3A_133 = tpu.memref_squeeze %dma_start3A_132 : memref<1x!tpu.dma_semaphore, #tpu.memory_space<semaphore_mem>> -> memref<!tpu.dma_semaphore, #tpu.memory_space<semaphore_mem>>
      %dma_start3A_134 = arith.constant 0 : i32
      %dma_start3A_135 = tpu.memref_slice %arg4[%add3A_125, %dma_start3A_134] : memref<32768x1024xf32, #tpu.memory_space<hbm>> -> memref<16x1024xf32, #tpu.memory_space<hbm>>
      %dma_start3A_136 = arith.constant 0 : i32
      %dma_start3A_137 = arith.constant 0 : i32
      %dma_start3A_138 = tpu.memref_slice %arg6[%rem3A_110, %dma_start3A_136, %dma_start3A_137] : memref<7x16x1024xf32, #tpu.memory_space<vmem>> -> memref<1x16x1024xf32, #tpu.memory_space<vmem>>
      %dma_start3A_139 = tpu.memref_squeeze %dma_start3A_138 : memref<1x16x1024xf32, #tpu.memory_space<vmem>> -> memref<16x1024xf32, #tpu.memory_space<vmem>>
      tpu.enqueue_dma source(%dma_start3A_139 : memref<16x1024xf32, #tpu.memory_space<vmem>>) target(%dma_start3A_135 : memref<16x1024xf32, #tpu.memory_space<hbm>>) target_semaphore(%dma_start3A_133 : memref<!tpu.dma_semaphore, #tpu.memory_space<semaphore_mem>>)
      %sub3A_140 = arith.constant 1 : i32
      %sub3A_141 = arith.subi %scan3A_107, %sub3A_140 : i32
      %rem3A_142 = arith.constant 7 : i32
      %rem3A_143 = arith.remsi %sub3A_141, %rem3A_142 : i32
      %sub3A_144 = arith.constant 1 : i32
      %sub3A_145 = arith.subi %scan3A_107, %sub3A_144 : i32
      %mul3A_146 = arith.constant 16 : i32
      %mul3A_147 = arith.muli %sub3A_145, %mul3A_146 : i32
      %add3A_148 = arith.addi %mul3A_2, %mul3A_147 : i32
      %dma_wait3A_149 = arith.constant 0 : i32
      %dma_wait3A_150 = arith.constant 0 : i32
      %dma_wait3A_151 = tpu.memref_slice %arg6[%rem3A_143, %dma_wait3A_149, %dma_wait3A_150] : memref<7x16x1024xf32, #tpu.memory_space<vmem>> -> memref<1x16x1024xf32, #tpu.memory_space<vmem>>
      %dma_wait3A_152 = tpu.memref_squeeze %dma_wait3A_151 : memref<1x16x1024xf32, #tpu.memory_space<vmem>> -> memref<16x1024xf32, #tpu.memory_space<vmem>>
      %dma_wait3A_153 = arith.constant 0 : i32
      %dma_wait3A_154 = tpu.memref_slice %arg4[%add3A_148, %dma_wait3A_153] : memref<32768x1024xf32, #tpu.memory_space<hbm>> -> memref<16x1024xf32, #tpu.memory_space<hbm>>
      %dma_wait3A_155 = tpu.memref_slice %arg8[%rem3A_143] : memref<7x!tpu.dma_semaphore, #tpu.memory_space<semaphore_mem>> -> memref<1x!tpu.dma_semaphore, #tpu.memory_space<semaphore_mem>>
      %dma_wait3A_156 = tpu.memref_squeeze %dma_wait3A_155 : memref<1x!tpu.dma_semaphore, #tpu.memory_space<semaphore_mem>> -> memref<!tpu.dma_semaphore, #tpu.memory_space<semaphore_mem>>
      %dma_wait3A_157 = arith.constant 0 : i32
      %dma_wait3A_158 = tpu.memref_slice %arg4[%add3A_148, %dma_wait3A_157] : memref<32768x1024xf32, #tpu.memory_space<hbm>> -> memref<16x1024xf32, #tpu.memory_space<hbm>>
      %dma_wait3A_159 = arith.constant 0 : i32
      %dma_wait3A_160 = arith.constant 0 : i32
      %dma_wait3A_161 = tpu.memref_slice %arg6[%rem3A_143, %dma_wait3A_159, %dma_wait3A_160] : memref<7x16x1024xf32, #tpu.memory_space<vmem>> -> memref<1x16x1024xf32, #tpu.memory_space<vmem>>
      %dma_wait3A_162 = tpu.memref_squeeze %dma_wait3A_161 : memref<1x16x1024xf32, #tpu.memory_space<vmem>> -> memref<16x1024xf32, #tpu.memory_space<vmem>>
      tpu.wait_dma2 semaphore(%dma_wait3A_156 : memref<!tpu.dma_semaphore, #tpu.memory_space<semaphore_mem>>) src(%dma_wait3A_162 : memref<16x1024xf32, #tpu.memory_space<vmem>>) dst(%dma_wait3A_158 : memref<16x1024xf32, #tpu.memory_space<hbm>>)
      %sub3A_163 = arith.constant 1 : i32
      %sub3A_164 = arith.subi %scan3A_107, %sub3A_163 : i32
      %add3A_165 = arith.constant 7 : i32
      %add3A_166 = arith.addi %sub3A_164, %add3A_165 : i32
      %mul3A_167 = arith.constant 16 : i32
      %mul3A_168 = arith.muli %add3A_166, %mul3A_167 : i32
      %dma_start3A_169 = arith.constant 0 : i32
      %dma_start3A_170 = arith.constant 0 : i32
      %dma_start3A_171 = tpu.memref_slice %arg6[%rem3A_143, %dma_start3A_169, %dma_start3A_170] : memref<7x16x1024xf32, #tpu.memory_space<vmem>> -> memref<1x16x1024xf32, #tpu.memory_space<vmem>>
      %dma_start3A_172 = tpu.memref_squeeze %dma_start3A_171 : memref<1x16x1024xf32, #tpu.memory_space<vmem>> -> memref<16x1024xf32, #tpu.memory_space<vmem>>
      %dma_start3A_173 = tpu.memref_slice %arg5[%mul3A_168] : memref<1024xi32, #tpu.memory_space<vmem>> -> memref<16xi32, #tpu.memory_space<vmem>>
      %dma_start3A_174 = arith.constant 0 : i32
      %dma_start3A_175 = arith.constant 0 : i32
      %dma_start3A_176 = tpu.memref_slice %arg3[%dma_start3A_174, %dma_start3A_175] : memref<100000x1024xf32, #tpu.memory_space<hbm>> -> memref<100000x1024xf32, #tpu.memory_space<hbm>>
      %dma_start3A_177 = tpu.memref_slice %arg7[%rem3A_143] : memref<7x!tpu.dma_semaphore, #tpu.memory_space<semaphore_mem>> -> memref<1x!tpu.dma_semaphore, #tpu.memory_space<semaphore_mem>>
      %dma_start3A_178 = tpu.memref_squeeze %dma_start3A_177 : memref<1x!tpu.dma_semaphore, #tpu.memory_space<semaphore_mem>> -> memref<!tpu.dma_semaphore, #tpu.memory_space<semaphore_mem>>
      tpu.enqueue_indirect_dma source(%dma_start3A_176 : memref<100000x1024xf32, #tpu.memory_space<hbm>>) target(%dma_start3A_172 : memref<16x1024xf32, #tpu.memory_space<vmem>>) offsets(%dma_start3A_173 : memref<16xi32, #tpu.memory_space<vmem>>) semaphore(%dma_start3A_178 : memref<!tpu.dma_semaphore, #tpu.memory_space<semaphore_mem>>)
      %scan3A_179 = arith.constant 0 : i32
      scf.yield %scan3A_179 : i32
    }
    %scan3A_92 = arith.constant 57 : i32
    %scan3A_93 = arith.constant 0 : i32
    %scan3A_94 = arith.constant 58 : i32
    %scan3A_95 = arith.constant 6 : i32
    %scan3A_96 = arith.addi %scan3A_94, %scan3A_95 : i32
    %scan3A_97 = arith.constant 1 : i32
    %scan3A_98 = scf.for %scan3A_107 = %scan3A_94 to %scan3A_96 step %scan3A_97 iter_args(%scan3A_108 = %scan3A_93) -> (i32)  : i32 {
      %rem3A_109 = arith.constant 7 : i32
      %rem3A_110 = arith.remsi %scan3A_107, %rem3A_109 : i32
      %mul3A_111 = arith.constant 16 : i32
      %mul3A_112 = arith.muli %scan3A_107, %mul3A_111 : i32
      %dma_wait3A_113 = arith.constant 0 : i32
      %dma_wait3A_114 = arith.constant 0 : i32
      %dma_wait3A_115 = tpu.memref_slice %arg6[%rem3A_110, %dma_wait3A_113, %dma_wait3A_114] : memref<7x16x1024xf32, #tpu.memory_space<vmem>> -> memref<1x16x1024xf32, #tpu.memory_space<vmem>>
      %dma_wait3A_116 = tpu.memref_squeeze %dma_wait3A_115 : memref<1x16x1024xf32, #tpu.memory_space<vmem>> -> memref<16x1024xf32, #tpu.memory_space<vmem>>
      %dma_wait3A_117 = tpu.memref_slice %arg5[%mul3A_112] : memref<1024xi32, #tpu.memory_space<vmem>> -> memref<16xi32, #tpu.memory_space<vmem>>
      %dma_wait3A_118 = arith.constant 0 : i32
      %dma_wait3A_119 = arith.constant 0 : i32
      %dma_wait3A_120 = tpu.memref_slice %arg3[%dma_wait3A_118, %dma_wait3A_119] : memref<100000x1024xf32, #tpu.memory_space<hbm>> -> memref<100000x1024xf32, #tpu.memory_space<hbm>>
      %dma_wait3A_121 = tpu.memref_slice %arg7[%rem3A_110] : memref<7x!tpu.dma_semaphore, #tpu.memory_space<semaphore_mem>> -> memref<1x!tpu.dma_semaphore, #tpu.memory_space<semaphore_mem>>
      %dma_wait3A_122 = tpu.memref_squeeze %dma_wait3A_121 : memref<1x!tpu.dma_semaphore, #tpu.memory_space<semaphore_mem>> -> memref<!tpu.dma_semaphore, #tpu.memory_space<semaphore_mem>>
      tpu.wait_indirect_dma semaphore(%dma_wait3A_122 : memref<!tpu.dma_semaphore, #tpu.memory_space<semaphore_mem>>) src(%dma_wait3A_120 : memref<100000x1024xf32, #tpu.memory_space<hbm>>) dst(%dma_wait3A_116 : memref<16x1024xf32, #tpu.memory_space<vmem>>)
      %mul3A_123 = arith.constant 16 : i32
      %mul3A_124 = arith.muli %scan3A_107, %mul3A_123 : i32
      %add3A_125 = arith.addi %mul3A_2, %mul3A_124 : i32
      %dma_start3A_126 = arith.constant 0 : i32
      %dma_start3A_127 = arith.constant 0 : i32
      %dma_start3A_128 = tpu.memref_slice %arg6[%rem3A_110, %dma_start3A_126, %dma_start3A_127] : memref<7x16x1024xf32, #tpu.memory_space<vmem>> -> memref<1x16x1024xf32, #tpu.memory_space<vmem>>
      %dma_start3A_129 = tpu.memref_squeeze %dma_start3A_128 : memref<1x16x1024xf32, #tpu.memory_space<vmem>> -> memref<16x1024xf32, #tpu.memory_space<vmem>>
      %dma_start3A_130 = arith.constant 0 : i32
      %dma_start3A_131 = tpu.memref_slice %arg4[%add3A_125, %dma_start3A_130] : memref<32768x1024xf32, #tpu.memory_space<hbm>> -> memref<16x1024xf32, #tpu.memory_space<hbm>>
      %dma_start3A_132 = tpu.memref_slice %arg8[%rem3A_110] : memref<7x!tpu.dma_semaphore, #tpu.memory_space<semaphore_mem>> -> memref<1x!tpu.dma_semaphore, #tpu.memory_space<semaphore_mem>>
      %dma_start3A_133 = tpu.memref_squeeze %dma_start3A_132 : memref<1x!tpu.dma_semaphore, #tpu.memory_space<semaphore_mem>> -> memref<!tpu.dma_semaphore, #tpu.memory_space<semaphore_mem>>
      %dma_start3A_134 = arith.constant 0 : i32
      %dma_start3A_135 = tpu.memref_slice %arg4[%add3A_125, %dma_start3A_134] : memref<32768x1024xf32, #tpu.memory_space<hbm>> -> memref<16x1024xf32, #tpu.memory_space<hbm>>
      %dma_start3A_136 = arith.constant 0 : i32
      %dma_start3A_137 = arith.constant 0 : i32
      %dma_start3A_138 = tpu.memref_slice %arg6[%rem3A_110, %dma_start3A_136, %dma_start3A_137] : memref<7x16x1024xf32, #tpu.memory_space<vmem>> -> memref<1x16x1024xf32, #tpu.memory_space<vmem>>
      %dma_start3A_139 = tpu.memref_squeeze %dma_start3A_138 : memref<1x16x1024xf32, #tpu.memory_space<vmem>> -> memref<16x1024xf32, #tpu.memory_space<vmem>>
      tpu.enqueue_dma source(%dma_start3A_139 : memref<16x1024xf32, #tpu.memory_space<vmem>>) target(%dma_start3A_135 : memref<16x1024xf32, #tpu.memory_space<hbm>>) target_semaphore(%dma_start3A_133 : memref<!tpu.dma_semaphore, #tpu.memory_space<semaphore_mem>>)
      %scan3A_140 = arith.constant 0 : i32
      scf.yield %scan3A_140 : i32
    }
    %scan3A_99 = arith.constant 6 : i32
    %scan3A_100 = arith.constant 0 : i32
    %scan3A_101 = arith.constant 57 : i32
    %scan3A_102 = arith.constant 7 : i32
    %scan3A_103 = arith.addi %scan3A_101, %scan3A_102 : i32
    %scan3A_104 = arith.constant 1 : i32
    %scan3A_105 = scf.for %scan3A_107 = %scan3A_101 to %scan3A_103 step %scan3A_104 iter_args(%scan3A_108 = %scan3A_100) -> (i32)  : i32 {
      %rem3A_109 = arith.constant 7 : i32
      %rem3A_110 = arith.remsi %scan3A_107, %rem3A_109 : i32
      %mul3A_111 = arith.constant 16 : i32
      %mul3A_112 = arith.muli %scan3A_107, %mul3A_111 : i32
      %add3A_113 = arith.addi %mul3A_2, %mul3A_112 : i32
      %dma_wait3A_114 = arith.constant 0 : i32
      %dma_wait3A_115 = arith.constant 0 : i32
      %dma_wait3A_116 = tpu.memref_slice %arg6[%rem3A_110, %dma_wait3A_114, %dma_wait3A_115] : memref<7x16x1024xf32, #tpu.memory_space<vmem>> -> memref<1x16x1024xf32, #tpu.memory_space<vmem>>
      %dma_wait3A_117 = tpu.memref_squeeze %dma_wait3A_116 : memref<1x16x1024xf32, #tpu.memory_space<vmem>> -> memref<16x1024xf32, #tpu.memory_space<vmem>>
      %dma_wait3A_118 = arith.constant 0 : i32
      %dma_wait3A_119 = tpu.memref_slice %arg4[%add3A_113, %dma_wait3A_118] : memref<32768x1024xf32, #tpu.memory_space<hbm>> -> memref<16x1024xf32, #tpu.memory_space<hbm>>
      %dma_wait3A_120 = tpu.memref_slice %arg8[%rem3A_110] : memref<7x!tpu.dma_semaphore, #tpu.memory_space<semaphore_mem>> -> memref<1x!tpu.dma_semaphore, #tpu.memory_space<semaphore_mem>>
      %dma_wait3A_121 = tpu.memref_squeeze %dma_wait3A_120 : memref<1x!tpu.dma_semaphore, #tpu.memory_space<semaphore_mem>> -> memref<!tpu.dma_semaphore, #tpu.memory_space<semaphore_mem>>
      %dma_wait3A_122 = arith.constant 0 : i32
      %dma_wait3A_123 = tpu.memref_slice %arg4[%add3A_113, %dma_wait3A_122] : memref<32768x1024xf32, #tpu.memory_space<hbm>> -> memref<16x1024xf32, #tpu.memory_space<hbm>>
      %dma_wait3A_124 = arith.constant 0 : i32
      %dma_wait3A_125 = arith.constant 0 : i32
      %dma_wait3A_126 = tpu.memref_slice %arg6[%rem3A_110, %dma_wait3A_124, %dma_wait3A_125] : memref<7x16x1024xf32, #tpu.memory_space<vmem>> -> memref<1x16x1024xf32, #tpu.memory_space<vmem>>
      %dma_wait3A_127 = tpu.memref_squeeze %dma_wait3A_126 : memref<1x16x1024xf32, #tpu.memory_space<vmem>> -> memref<16x1024xf32, #tpu.memory_space<vmem>>
      tpu.wait_dma2 semaphore(%dma_wait3A_121 : memref<!tpu.dma_semaphore, #tpu.memory_space<semaphore_mem>>) src(%dma_wait3A_127 : memref<16x1024xf32, #tpu.memory_space<vmem>>) dst(%dma_wait3A_123 : memref<16x1024xf32, #tpu.memory_space<hbm>>)
      %scan3A_128 = arith.constant 0 : i32
      scf.yield %scan3A_128 : i32
    }
    %scan3A_106 = arith.constant 7 : i32
    return
  }
}

</mosaic_0001>

<sc_bundles>
// kernel: kernel.3.cloned.1.call-start
scs
__scs_entry_jumppad:
0x0: {  	(pc) =	sbr.rel $0x88, $3  }
0x1: {  	(tag) =	ssettag $0x0;
	lr =	simm.s32 $0x1  }
0x2: {  	[smem:$0x3F9F] =	sst lr;
	_ =	strace $0xD0000000  }
0x3: {  	_ = 	snop  }
0x4: {  	_ = 	snop  }
0x5: {  	_ = 	snop  }
0x6: {  	_ = 	snop  }
0x7: {  	_ = 	snop  }
__scs_overlays_trampoline_lowered:
0x8: {  	[smem:$0x3FAE] =	sst s0  }
0x9: {  	[smem:$0x3FAF] =	sst s1  }
0xa: {  	[smem:$0x3FB0] =	sst s2  }
0xb: {  	[smem:$0x3FB1] =	sst s3  }
0xc: {  	[smem:$0x3FB2] =	sst s4  }
0xd: {  	[smem:$0x3FB3] =	sst s5  }
0xe: {  	[smem:$0x3FB4] =	sst s6  }
0xf: {  	[smem:$0x3FB5] =	sst s7  }
0x10: {  	[smem:$0x3FB6] =	sst s8  }
0x11: {  	[smem:$0x3FB7] =	sst s9;
	s0 =	simm.s32 @!p0 $0x0  }
0x12: {  	s1 =	sld [smem:$0x3F9D];
	s0 =	simm.s32 @p0 $0x1  }
0x13: {  	[smem:$0x3FB8] =	sst s0;
	s0 =	simm.s32 @!p1 $0x0  }
0x14: {  	s2 =	sld [smem:$0x3F9C];
	s0 =	simm.s32 @p1 $0x1  }
0x15: {  	[smem:$0x3FB9] =	sst s0;
	s0 =	simm.s32 @!p2 $0x0  }
0x16: {  	s3 =	sld [smem:$0x3FDB];
	s0 =	simm.s32 @p2 $0x1  }
0x17: {  	s4 =	simm.s32 $0x1BF5;
	[smem:$0x3FBB] =	sst s0  }
0x18: {  	s0 =	sld [smem:$0x3F9E];
	_ =	swait.ge [sflag:s4], $0x0  }
0x19: {  	s7 =	sld [smem:$0x3F9F]  }
0x1a: {  	s8 =	sadd.s32 $0xFFFFE003, lr  }
0x1b: {  	s9 =	sadd.s32 $0xFFFFFEF7, lr;
	s5 =	simm.s32 $0xFFFFFFFF;
	p2 =	slt.u32 s8, $0xFFFFF086  }
0x1c: {  	p1 =	slt.u32 s9, $0xF7A;
	s5 =	simm.s32 @!p2 $0x0  }
0x1d: {  	s5 =	simm.s32 @p1 $0x1;
	p0 =	seq.s32 s7, s2  }
0x1e: {  	s7 =	smul.u32 @!p0 $0xF7A, s2;
	p2 =	seq.s32 @!p0 s5, $0x0  }
0x1f: {  	s9 =	smul.u32 $0xF7A, s1;
	s8 =	simm.s32 @!p0 $0x1BF5;
	p2 =	por !p2, p0  }
0x20: {  	[sflag:s8] =	ssyncset.s32 @!p0 $0xFFFFF086;
	s6 =	sadd.s32 @!p0 s3, s7;
	s7 =	simm.s32 @!p0 $0x108  }
0x21: {  	s3 =	sadd.s32 s3, s9;
	s6 =	sadd.s32 @!p0 $0x88, s6;
	s7 =	simm.s32 @p2 $0x1082  }
0x22: {  	[simem:s7], [sflag:s8] =	dma.local @!p0 [hbm:s6], $0xF7A  }
0x23: {  	s9 =	sor.u32 $0xD0000000, s2;
	s6 =	simm.s32 $0x108;
	_ =	swait.ge @!p0 [sflag:s8], $0x0  }
0x24: {  	s3 =	sadd.s32 $0x88, s3;
	s6 =	simm.s32 @!p1 $0x1082;
	[sflag:s4] =	ssyncset.s32 $0xFFFFF086  }
0x25: {  	[simem:s6], [sflag:s4] =	dma.local [hbm:s3], $0xF7A  }
0x26: {  	[smem:$0x3F9F] =	sst s1;
	(tag) =	ssettag s2;
	_ =	strace s9  }
0x27: {  	s1 =	sld [smem:$0x3FAF]  }
0x28: {  	s2 =	sld [smem:$0x3FB0]  }
0x29: {  	s4 =	sld [smem:$0x3FB2]  }
0x2a: {  	p0 =	seq.s32 s5, $0x0;
	s5 =	sld [smem:$0x3FB3]  }
0x2b: {  	s6 =	sld [smem:$0x3FB4]  }
0x2c: {  	s7 =	sld [smem:$0x3FB5]  }
0x2d: {  	s3 =	simm.s32 $0x108;
	s8 =	sld [smem:$0x3FB6]  }
0x2e: {  	s3 =	simm.s32 @!p0 $0x1082;
	s9 =	sld [smem:$0x3FB7]  }
0x2f: {  	lr =	sadd.s32 s0, s3;
	s0 =	sld [smem:$0x3FAE]  }
0x30: {  	s3 =	sld [smem:$0x3FB1]  }
0x31: {  	[smem:$0x3FBA] =	sst s10  }
0x32: {  	s10 =	sld [smem:$0x3FB8];
	_ =	sdelay $0x3  }
0x33: {  	p0 =	seq.s32 s10, $0x1;
	s10 =	sld [smem:$0x3FBA];
	_ =	sdelay $0x3  }
0x34: {  	[smem:$0x3FBA] =	sst s10  }
0x35: {  	s10 =	sld [smem:$0x3FB9];
	_ =	sdelay $0x3  }
0x36: {  	p1 =	seq.s32 s10, $0x1;
	s10 =	sld [smem:$0x3FBA];
	_ =	sdelay $0x3  }
0x37: {  	[smem:$0x3FBA] =	sst s10  }
0x38: {  	s10 =	sld [smem:$0x3FBB]  }
0x39: {  	_ = 	snop;
	(pc) =	sbr.ind lr, $3  }
0x3a: {  	_ = 	snop  }
0x3b: {  	_ = 	snop  }
0x3c: {  	p2 =	seq.s32 s10, $0x1;
	s10 =	sld [smem:$0x3FBA]  }
0x3d: {  	_ =	shalt  }
0x3e: {  	_ =	shalt  }
0x3f: {  	_ =	shalt  }
0x40: {  	_ =	shalt  }
0x41: {  	_ =	shalt  }
0x42: {  	_ =	shalt  }
0x43: {  	_ =	shalt  }
0x44: {  	_ =	shalt  }
0x45: {  	_ =	shalt  }
0x46: {  	_ =	shalt  }
0x47: {  	_ =	shalt  }
0x48: {  	_ =	shalt  }
0x49: {  	_ =	shalt  }
0x4a: {  	_ =	shalt  }
0x4b: {  	_ =	shalt  }
0x4c: {  	_ =	shalt  }
0x4d: {  	_ =	shalt  }
0x4e: {  	_ =	shalt  }
0x4f: {  	_ =	shalt  }
0x50: {  	_ =	shalt  }
0x51: {  	_ =	shalt  }
0x52: {  	_ =	shalt  }
0x53: {  	_ =	shalt  }
0x54: {  	_ =	shalt  }
0x55: {  	_ =	shalt  }
0x56: {  	_ =	shalt  }
0x57: {  	_ =	shalt  }
0x58: {  	_ =	shalt  }
0x59: {  	_ =	shalt  }
0x5a: {  	_ =	shalt  }
0x5b: {  	_ =	shalt  }
0x5c: {  	_ =	shalt  }
0x5d: {  	_ =	shalt  }
0x5e: {  	_ =	shalt  }
0x5f: {  	_ =	shalt  }
0x60: {  	_ =	shalt  }
0x61: {  	_ =	shalt  }
0x62: {  	_ =	shalt  }
0x63: {  	_ =	shalt  }
0x64: {  	_ =	shalt  }
0x65: {  	_ =	shalt  }
0x66: {  	_ =	shalt  }
0x67: {  	_ =	shalt  }
0x68: {  	_ =	shalt  }
0x69: {  	_ =	shalt  }
0x6a: {  	_ =	shalt  }
0x6b: {  	_ =	shalt  }
0x6c: {  	_ =	shalt  }
0x6d: {  	_ =	shalt  }
0x6e: {  	_ =	shalt  }
0x6f: {  	_ =	shalt  }
0x70: {  	_ =	shalt  }
0x71: {  	_ =	shalt  }
0x72: {  	_ =	shalt  }
0x73: {  	_ =	shalt  }
0x74: {  	_ =	shalt  }
0x75: {  	_ =	shalt  }
0x76: {  	_ =	shalt  }
0x77: {  	_ =	shalt  }
0x78: {  	_ =	shalt  }
0x79: {  	_ =	shalt  }
0x7a: {  	_ =	shalt  }
0x7b: {  	_ =	shalt  }
0x7c: {  	_ =	shalt  }
0x7d: {  	_ =	shalt  }
0x7e: {  	_ =	shalt  }
0x7f: {  	_ =	shalt  }
0x80: {  	_ =	shalt  }
0x81: {  	_ =	shalt  }
0x82: {  	_ =	shalt  }
0x83: {  	_ =	shalt  }
0x84: {  	_ =	shalt  }
0x85: {  	_ =	shalt  }
0x86: {  	_ =	shalt  }
0x87: {  	_ =	shalt  }
.Lfunc_end0:
.L_simem_size_0:
called_computation_lowered:
.L_overlay_start_0:
0x88: {  	s2 =	sld [smem:$0x3FD9]  }
0x89: {  	s3 =	sld [smem:$0x3FFE];
	_ =	sdelay $0x1  }
0x8a: {  	s1 =	srdreg.scid  }
0x8b: {  	s0 =	sand.u32 $0x1, s1  }
0x8c: {  	s18 =	sshll.u32 s0, $0xA;
	s2 =	sadd.s32 s3, s2  }
0x8d: {  	s2 =	sadd.s32 s2, s18  }
0x8e: {  	[smem:$0x3FC6] =	sst s2  }
0x8f: {  	_ = 	snop  }
0x90: {  	s2 =	sld [smem:$0x3FC9]  }
0x91: {  	s19 =	sld [smem:$0x3FC8]  }
0x92: {  	s4 =	sld [smem:$0x3FD0];
	(tm) =	ssettm $0x1  }
0x93: {  	s5 =	sld [smem:$0x3FFB];
	_ =	sdelay $0x3  }
0x94: {  	_ =	strace s5  }
0x95: {  	s5 =	sld [smem:$0x3FFC];
	_ =	sdelay $0x3  }
0x96: {  	_ =	strace s5  }
0x97: {  	s5 =	sld [smem:$0x3FFD];
	_ =	sdelay $0x3  }
0x98: {  	_ =	strace s5  }
0x99: {  	_ =	strace $0x8FFFFFFF  }
0x9a: {  	s20 =	sld [smem:$0x3FDB];
	_ =	sdelay $0x1  }
0x9b: {  	s6 =	simm.s32 $_scs_section_size  }
0x9c: {  	s7 =	simm.s32 $_size__tile_overlayer_lowered;
	s8 =	simm.s32 $_tile_overlayer_lowered  }
0x9d: {  	s23 =	simm.s32 $0x1BFF;
	s22 =	sshll.u32 s8, $0x1;
	s5 =	sadd.s32 s6, s20  }
0x9e: {  	s9 =	simm.s32 $0x0;
	s21 =	sshll.u32 s7, $0x1;
	s7 =	sadd.s32 s22, s5  }
0x9f: {  	[timem:s9], [sflag:s23] =	dma.local [hbm:s7], s21  }
0xa0: {  	_ =	swait.ge [sflag:s23], s21  }
0xa1: {  	s6 =	ssub.s32 $0x0, s21;
	[sflag:s23] =	ssyncset.done $0x0  }
0xa2: {  	[sflag:s23] =	ssyncadd.s32 s6;
	_ =	sdelay $0x1  }
0xa3: {  	s24 =	simm.s32 $0x1B8B  }
0xa4: {  	_ =	swait.ge [sflag:s24], $0x1  }
0xa5: {  	[sflag:s24] =	ssyncset.done $0x0  }
0xa6: {  	s25 =	simm.s32 $0x1B8E;
	[sflag:s24] =	ssyncadd.s32 $0xFFFFFFFF  }
0xa7: {  	s26 =	simm.s32 $execute0_lowered;
	[smem:$0x3FD2] =	sst s25  }
0xa8: {  	s6 =	sshll.u32 s26, $0x1;
	_ =	strace $0x80000046;
	[dreg:$0x1] =	wrdreg $0xFFFFFFFF  }
0xa9: {  	s28 =	simm.s32 $_size_execute0_lowered;
	s5 =	sadd.s32 s5, s6;
	[dreg:$0x0] =	wrdreg $0x0  }
0xaa: {  	s6 =	sshll.u32 s28, $0x1;
	[dreg:$0x2] =	wrdreg s5  }
0xab: {  	[dreg:$0x3] =	wrdreg s6  }
0xac: {  	[dreg:$0x4] =	wrdreg $0xC0  }
0xad: {  	_ =	task [dreg:s9], $0x5FFFF  }
0xae: {  	[dreg:$0x1] =	wrdreg $0xFFFFFFFF  }
0xaf: {  	[dreg:$0x0] =	wrdreg $0x60  }
0xb0: {  	[dreg:$0x2] =	wrdreg s2  }
0xb1: {  	[dreg:$0x3] =	wrdreg s19  }
0xb2: {  	[dreg:$0x4] =	wrdreg s4  }
0xb3: {  	[dreg:$0x5] =	wrdreg $0x9  }
0xb4: {  	_ =	task.clear_ibuf [dreg:s9], $0x6FFFF;
	_ =	strace $0x90000046  }
0xb5: {  	s29 =	simm.s32 $0x9;
	_ =	strace $0x80000048  }
0xb6: {  	_ =	swait.ge [sflag:s29], $0x1  }
0xb7: {  	[sflag:s29] =	ssyncadd.s32 $0xFFFFFFFF  }
0xb8: {  	_ =	strace $0x90000048  }
0xb9: {  	_ =	sfence  }
0xba: {  	s30 =	sld [smem:$0x0];
	_ =	sdelay $0x2  }
0xbb: {  	s31 =	sshll.u32 s1, $0xD;
	s1 =	sshrl.u32 s1, $0x2  }
0xbc: {  	s3 =	sand.u32 $0x4000, s31;
	s1 =	sadd.s32 s1, s30  }
0xbd: {  	s0 =	sor.u32 s3, s0;
	s1 =	sshll.u32 s1, $0x11  }
0xbe: {  	s0 =	sor.u32 s1, s0  }
0xbf: {  	s0 =	sadd.s32 $0x8F2B, s0  }
0xc0: {  	[sflag:s0] =	ssyncadd.remote.s32 $0x1  }
0xc1: {  	_ =	sfence.sel $0xFFFF  }
0xc2: {  	[dreg:$0x0] =	wrdreg $0xFFFFFFFF;
	(pc) =	sbr.abs _section_cstart, $3  }
0xc3: {  	[dreg:$0x1] =	wrdreg $0xFFFFFFFF  }
0xc4: {  	_ =	task.clear_ibuf [dreg:s9], $0x2FFFF;
	_ =	strace $0x9FFFFFFF  }
0xc5: {  	(tm) =	ssettm $0x7FFFFFFF  }
tec
execute0_lowered:
.L_overlay_start_1:
0x0: {  	(tag) =	ssettag $0x1  }
0x1: {  	s0 =	srdreg.scid;
	s4 =	rddreg [dreg:$0x0]  }
0x2: {  	s10 =	stileid.u32;
	s8 =	rddreg [dreg:$0x2];
	s16 =	simm.s32 $0x400  }
0x3: {  	s17 =	simm.s32 $0x8400;
	s28 =	simm.s32 $0x5;
	s30 =	simm.s32 $0x6  }
0x4: {  	s31 =	simm.s32 $0x7;
	s11 =	simm.s32 $0xC;
	s12 =	simm.s32 $0xD  }
0x5: {  	s13 =	simm.s32 $0xE;
	s14 =	simm.s32 $0x8;
	s15 =	simm.s32 $0x0  }
0x6: {  	s0 =	sand.u32 $0x1, s0;
	s1 =	sshll.u32 s10, $0xB;
	s5 =	sshll.u32 s10, $0x5  }
0x7: {  	s24 =	sshll.u32 s10, $0x12;
	s10 =	simm.s32 $0xB;
	s2 =	sshll.u32 s0, $0xA  }
0x8: {  	s6 =	ssub.s32 $0x2, s0;
	s0 =	sshll.u32 s0, $0x11;
	s1 =	sor.u32 s2, s1  }
0x9: {  	s2 =	rddreg [dreg:$0x1];
	s7 =	sshrl.u32 s6, $0x1;
	s3 =	sshll.u32 s1, $0x2  }
0xa: {  	s18 =	ssub.s32 s6, s7;
	s1 =	sshll.u32 s1, $0x7;
	s6 =	sadd.s32 $0x100, s2  }
0xb: {  	s7 =	sadd.s32 $0x200, s2;
	s5 =	sor.u32 s5, s3;
	s3 =	simm.s32 $0x0  }
0xc: {  	s19 =	sadd.s32 s8, s1;
	s20 =	smax.u32 s18, $0x1;
	[smem:$0x7FF] =	sst s3  }
0xd: {  	s21 =	sadd.s32 $0x1D000, s19;
	_ =	strace $0x80000047;
	[dreg:$0x7] =	wrdreg s20  }
0xe: {  	s9 =	sadd.s32 $0x300, s2;
	s22 =	sadd.s32 $0x1D800, s19;
	[dreg:$0x8] =	wrdreg s21  }
0xf: {  	s1 =	sadd.s32 s24, s8;
	s23 =	sadd.s32 $0x1E000, s19;
	[dreg:$0x9] =	wrdreg s22  }
0x10: {  	s18 =	simm.s32 $0xC400;
	s25 =	sadd.s32 $0x1E800, s19;
	[dreg:$0xa] =	wrdreg s23  }
0x11: {  	s5 =	sand.u32 $0x7180, s5;
	s26 =	sadd.s32 $0x1F000, s19;
	[dreg:$0xb] =	wrdreg s25  }
0x12: {  	s29 =	sadd.s32 $0x1F800, s19;
	s0 =	sadd.s32 s0, s1;
	[dreg:$0xc] =	wrdreg s26  }
0x13: {  	s1 =	simm.s32 $0x1;
	s5 =	sshrl.u32 s5, $0x3;
	[dreg:$0x6] =	wrdreg s19  }
0x14: {  	[dreg:$0xd] =	wrdreg s29;
	s24 =	sadd.s32 $0x800, s0;
	s20 =	simm.s32 $0x10400  }
0x15: {  	v2 =	vlaneseq.u32;
	s21 =	simm.s32 $0x14400;
	s22 =	simm.s32 $0x18400;
	s5 =	sadd.s32 s4, s5  }
0x16: {  	vm0 =	vmmov $0xffff;
	v1 =	vshrl.u32 v2, $0x3;
	s26 =	simm.s32 $0x4;
	[dreg:$0x4] =	wrdreg s5;
	s5 =	sadd.s32 $0x40, s5  }
0x17: {  	v0 =	vand.u32 $0x7, v2;
	v2 =	vor.u32 $0x8, v2;
	v1 =	vmul.u32 $0x8, v1;
	s19 =	simm.s32 $0x9;
	[dreg:$0x5] =	wrdreg s5;
	s5 =	simm.s32 $0xA  }
.LBB2_1:
0x18: {  	s0 =	rddreg [dreg:$0x4];
	s25 =	simm.s32 $0x10  }
0x19: {  	[tilespmem:s3], [sflag:$0x10] =	stream.linear.gather [hbm4b:s0+s3], $0x80, $0x38;
	[tilespmem:$0x1C400] =	vst v63  }
0x1a: {  	_ =	swait.ge [sflag:s25], $0x80  }
0x1b: {  	s4 =	simm.s32 $0x200;
	[sflag:s25] =	ssyncset.done $0x0  }
0x1c: {  	s8 =	simm.s32 $0x80;
	s29 =	rddreg [dreg:$0x5];
	[sflag:s25] =	ssyncadd.s32 $0xFFFFFF80  }
0x1d: {  	[tilespmem:s8], [sflag:$0xF] =	stream.strided.gather [hbm4b:s29+s8], $0x380, s4, s8, $0x38;
	[tilespmem:$0x1C400] =	vst v63  }
0x1e: {  	v3 =	vld [tilespmem:$0x0];
	_ =	sdelay $0x4  }
0x1f: {  	v4 =	vshll.u32 v3, $0x3  }
0x20: {  	v3 =	vand.u32 $0x7, v3;
	v4 =	vand.u32 $0xFFFFFFC0, v4  }
0x21: {  	v3 =	vor.u32 v3, v4  }
0x22: {  	v4 =	vperm.xlane v3, v0;
	_ =	sdelay $0x1  }
0x23: {  	v4 =	vadd.s32 v1, v4;
	_ =	sdelay $0x4  }
0x24: {  	[tilespmem:s16], [sflag:$0x1] =	stream.indirect_vreg.gather [hbm4b:s2+s3], $0x80, v4, vm0, $0xb8;
	[tilespmem:$0x1C400] =	vst v63  }
0x25: {  	s23 =	simm.s32 $0xC00;
	v3 =	vperm.xlane v3, v2  }
0x26: {  	[tilespmem:s23], [sflag:$0x1] =	stream.indirect_vreg.gather [hbm4b:s6+s3], $0x80, v4, vm0, $0xb8;
	[tilespmem:$0x1C400] =	vst v63  }
0x27: {  	s25 =	simm.s32 $0x1400;
	v3 =	vadd.s32 v1, v3  }
0x28: {  	[tilespmem:s25], [sflag:$0x1] =	stream.indirect_vreg.gather [hbm4b:s7+s3], $0x80, v4, vm0, $0xb8;
	[tilespmem:$0x1C400] =	vst v63  }
0x29: {  	s29 =	simm.s32 $0x1C00  }
0x2a: {  	[tilespmem:s29], [sflag:$0x1] =	stream.indirect_vreg.gather [hbm4b:s9+s3], $0x80, v4, vm0, $0xb8;
	[tilespmem:$0x1C400] =	vst v63  }
0x2b: {  	s4 =	simm.s32 $0x2400  }
0x2c: {  	[tilespmem:s4], [sflag:$0x1] =	stream.indirect_vreg.gather [hbm4b:s2+s3], $0x80, v3, vm0, $0xb8;
	[tilespmem:$0x1C400] =	vst v63  }
0x2d: {  	s8 =	simm.s32 $0x2C00  }
0x2e: {  	[tilespmem:s8], [sflag:$0x1] =	stream.indirect_vreg.gather [hbm4b:s6+s3], $0x80, v3, vm0, $0xb8;
	[tilespmem:$0x1C400] =	vst v63  }
0x2f: {  	s23 =	simm.s32 $0x3400  }
0x30: {  	[tilespmem:s23], [sflag:$0x1] =	stream.indirect_vreg.gather [hbm4b:s7+s3], $0x80, v3, vm0, $0xb8;
	[tilespmem:$0x1C400] =	vst v63  }
0x31: {  	s25 =	simm.s32 $0x3C00  }
0x32: {  	[tilespmem:s25], [sflag:$0x1] =	stream.indirect_vreg.gather [hbm4b:s9+s3], $0x80, v3, vm0, $0xb8;
	[tilespmem:$0x1C400] =	vst v63  }
0x33: {  	v3 =	vld [tilespmem:$0x10];
	_ =	sdelay $0x4  }
0x34: {  	v4 =	vshll.u32 v3, $0x3  }
0x35: {  	v3 =	vand.u32 $0x7, v3;
	v4 =	vand.u32 $0xFFFFFFC0, v4  }
0x36: {  	v3 =	vor.u32 v3, v4  }
0x37: {  	v4 =	vperm.xlane v3, v0;
	_ =	sdelay $0x1  }
0x38: {  	v4 =	vadd.s32 v1, v4;
	_ =	sdelay $0x3  }
0x39: {  	s29 =	simm.s32 $0x4400  }
0x3a: {  	[tilespmem:s29], [sflag:$0x2] =	stream.indirect_vreg.gather [hbm4b:s2+s3], $0x80, v4, vm0, $0xb8;
	[tilespmem:$0x1C400] =	vst v63  }
0x3b: {  	s4 =	simm.s32 $0x4C00;
	v3 =	vperm.xlane v3, v2  }
0x3c: {  	[tilespmem:s4], [sflag:$0x2] =	stream.indirect_vreg.gather [hbm4b:s6+s3], $0x80, v4, vm0, $0xb8;
	[tilespmem:$0x1C400] =	vst v63  }
0x3d: {  	s8 =	simm.s32 $0x5400;
	v3 =	vadd.s32 v1, v3  }
0x3e: {  	[tilespmem:s8], [sflag:$0x2] =	stream.indirect_vreg.gather [hbm4b:s7+s3], $0x80, v4, vm0, $0xb8;
	[tilespmem:$0x1C400] =	vst v63  }
0x3f: {  	s23 =	simm.s32 $0x5C00  }
0x40: {  	[tilespmem:s23], [sflag:$0x2] =	stream.indirect_vreg.gather [hbm4b:s9+s3], $0x80, v4, vm0, $0xb8;
	[tilespmem:$0x1C400] =	vst v63  }
0x41: {  	s25 =	simm.s32 $0x6400  }
0x42: {  	[tilespmem:s25], [sflag:$0x2] =	stream.indirect_vreg.gather [hbm4b:s2+s3], $0x80, v3, vm0, $0xb8;
	[tilespmem:$0x1C400] =	vst v63  }
0x43: {  	s29 =	simm.s32 $0x6C00  }
0x44: {  	[tilespmem:s29], [sflag:$0x2] =	stream.indirect_vreg.gather [hbm4b:s6+s3], $0x80, v3, vm0, $0xb8;
	[tilespmem:$0x1C400] =	vst v63  }
0x45: {  	s4 =	simm.s32 $0x7400  }
0x46: {  	[tilespmem:s4], [sflag:$0x2] =	stream.indirect_vreg.gather [hbm4b:s7+s3], $0x80, v3, vm0, $0xb8;
	[tilespmem:$0x1C400] =	vst v63  }
0x47: {  	s8 =	simm.s32 $0x7C00  }
0x48: {  	[tilespmem:s8], [sflag:$0x2] =	stream.indirect_vreg.gather [hbm4b:s9+s3], $0x80, v3, vm0, $0xb8;
	[tilespmem:$0x1C400] =	vst v63  }
0x49: {  	v3 =	vld [tilespmem:$0x20];
	_ =	sdelay $0x4  }
0x4a: {  	v4 =	vshll.u32 v3, $0x3  }
0x4b: {  	v3 =	vand.u32 $0x7, v3;
	v4 =	vand.u32 $0xFFFFFFC0, v4  }
0x4c: {  	v3 =	vor.u32 v3, v4  }
0x4d: {  	v4 =	vperm.xlane v3, v0;
	_ =	sdelay $0x1  }
0x4e: {  	v4 =	vadd.s32 v1, v4;
	_ =	sdelay $0x4  }
0x4f: {  	[tilespmem:s17], [sflag:$0x3] =	stream.indirect_vreg.gather [hbm4b:s2+s3], $0x80, v4, vm0, $0xb8;
	[tilespmem:$0x1C400] =	vst v63  }
0x50: {  	s23 =	simm.s32 $0x8C00;
	v3 =	vperm.xlane v3, v2  }
0x51: {  	[tilespmem:s23], [sflag:$0x3] =	stream.indirect_vreg.gather [hbm4b:s6+s3], $0x80, v4, vm0, $0xb8;
	[tilespmem:$0x1C400] =	vst v63  }
0x52: {  	s25 =	simm.s32 $0x9400;
	v3 =	vadd.s32 v1, v3  }
0x53: {  	[tilespmem:s25], [sflag:$0x3] =	stream.indirect_vreg.gather [hbm4b:s7+s3], $0x80, v4, vm0, $0xb8;
	[tilespmem:$0x1C400] =	vst v63  }
0x54: {  	s29 =	simm.s32 $0x9C00  }
0x55: {  	[tilespmem:s29], [sflag:$0x3] =	stream.indirect_vreg.gather [hbm4b:s9+s3], $0x80, v4, vm0, $0xb8;
	[tilespmem:$0x1C400] =	vst v63  }
0x56: {  	s4 =	simm.s32 $0xA400  }
0x57: {  	[tilespmem:s4], [sflag:$0x3] =	stream.indirect_vreg.gather [hbm4b:s2+s3], $0x80, v3, vm0, $0xb8;
	[tilespmem:$0x1C400] =	vst v63  }
0x58: {  	s8 =	simm.s32 $0xAC00  }
0x59: {  	[tilespmem:s8], [sflag:$0x3] =	stream.indirect_vreg.gather [hbm4b:s6+s3], $0x80, v3, vm0, $0xb8;
	[tilespmem:$0x1C400] =	vst v63  }
0x5a: {  	s17 =	simm.s32 $0xB400  }
0x5b: {  	[tilespmem:s17], [sflag:$0x3] =	stream.indirect_vreg.gather [hbm4b:s7+s3], $0x80, v3, vm0, $0xb8;
	[tilespmem:$0x1C400] =	vst v63  }
0x5c: {  	s23 =	simm.s32 $0xBC00  }
0x5d: {  	[tilespmem:s23], [sflag:$0x3] =	stream.indirect_vreg.gather [hbm4b:s9+s3], $0x80, v3, vm0, $0xb8;
	[tilespmem:$0x1C400] =	vst v63  }
0x5e: {  	v3 =	vld [tilespmem:$0x30];
	_ =	sdelay $0x4  }
0x5f: {  	v4 =	vshll.u32 v3, $0x3  }
0x60: {  	v3 =	vand.u32 $0x7, v3;
	v4 =	vand.u32 $0xFFFFFFC0, v4  }
0x61: {  	v3 =	vor.u32 v3, v4  }
0x62: {  	v4 =	vperm.xlane v3, v0;
	_ =	sdelay $0x1  }
0x63: {  	v4 =	vadd.s32 v1, v4;
	_ =	sdelay $0x4  }
0x64: {  	[tilespmem:s18], [sflag:$0x4] =	stream.indirect_vreg.gather [hbm4b:s2+s3], $0x80, v4, vm0, $0xb8;
	[tilespmem:$0x1C400] =	vst v63  }
0x65: {  	s25 =	simm.s32 $0xCC00;
	v3 =	vperm.xlane v3, v2  }
0x66: {  	[tilespmem:s25], [sflag:$0x4] =	stream.indirect_vreg.gather [hbm4b:s6+s3], $0x80, v4, vm0, $0xb8;
	[tilespmem:$0x1C400] =	vst v63  }
0x67: {  	s29 =	simm.s32 $0xD400;
	v3 =	vadd.s32 v1, v3  }
0x68: {  	[tilespmem:s29], [sflag:$0x4] =	stream.indirect_vreg.gather [hbm4b:s7+s3], $0x80, v4, vm0, $0xb8;
	[tilespmem:$0x1C400] =	vst v63  }
0x69: {  	s4 =	simm.s32 $0xDC00  }
0x6a: {  	[tilespmem:s4], [sflag:$0x4] =	stream.indirect_vreg.gather [hbm4b:s9+s3], $0x80, v4, vm0, $0xb8;
	[tilespmem:$0x1C400] =	vst v63  }
0x6b: {  	s8 =	simm.s32 $0xE400  }
0x6c: {  	[tilespmem:s8], [sflag:$0x4] =	stream.indirect_vreg.gather [hbm4b:s2+s3], $0x80, v3, vm0, $0xb8;
	[tilespmem:$0x1C400] =	vst v63  }
0x6d: {  	s17 =	simm.s32 $0xEC00  }
0x6e: {  	[tilespmem:s17], [sflag:$0x4] =	stream.indirect_vreg.gather [hbm4b:s6+s3], $0x80, v3, vm0, $0xb8;
	[tilespmem:$0x1C400] =	vst v63  }
0x6f: {  	s18 =	simm.s32 $0xF400  }
0x70: {  	[tilespmem:s18], [sflag:$0x4] =	stream.indirect_vreg.gather [hbm4b:s7+s3], $0x80, v3, vm0, $0xb8;
	[tilespmem:$0x1C400] =	vst v63  }
0x71: {  	s23 =	simm.s32 $0xFC00  }
0x72: {  	[tilespmem:s23], [sflag:$0x4] =	stream.indirect_vreg.gather [hbm4b:s9+s3], $0x80, v3, vm0, $0xb8;
	[tilespmem:$0x1C400] =	vst v63  }
0x73: {  	v3 =	vld [tilespmem:$0x40];
	_ =	sdelay $0x4  }
0x74: {  	v4 =	vshll.u32 v3, $0x3  }
0x75: {  	v3 =	vand.u32 $0x7, v3;
	v4 =	vand.u32 $0xFFFFFFC0, v4  }
0x76: {  	v3 =	vor.u32 v3, v4  }
0x77: {  	v4 =	vperm.xlane v3, v0;
	_ =	sdelay $0x1  }
0x78: {  	v4 =	vadd.s32 v1, v4;
	_ =	sdelay $0x4  }
0x79: {  	[tilespmem:s20], [sflag:$0x5] =	stream.indirect_vreg.gather [hbm4b:s2+s3], $0x80, v4, vm0, $0xb8;
	[tilespmem:$0x1C400] =	vst v63  }
0x7a: {  	s25 =	simm.s32 $0x10C00;
	v3 =	vperm.xlane v3, v2  }
0x7b: {  	[tilespmem:s25], [sflag:$0x5] =	stream.indirect_vreg.gather [hbm4b:s6+s3], $0x80, v4, vm0, $0xb8;
	[tilespmem:$0x1C400] =	vst v63  }
0x7c: {  	s29 =	simm.s32 $0x11400;
	v3 =	vadd.s32 v1, v3  }
0x7d: {  	[tilespmem:s29], [sflag:$0x5] =	stream.indirect_vreg.gather [hbm4b:s7+s3], $0x80, v4, vm0, $0xb8;
	[tilespmem:$0x1C400] =	vst v63  }
0x7e: {  	s4 =	simm.s32 $0x11C00  }
0x7f: {  	[tilespmem:s4], [sflag:$0x5] =	stream.indirect_vreg.gather [hbm4b:s9+s3], $0x80, v4, vm0, $0xb8;
	[tilespmem:$0x1C400] =	vst v63  }
0x80: {  	s8 =	simm.s32 $0x12400  }
0x81: {  	[tilespmem:s8], [sflag:$0x5] =	stream.indirect_vreg.gather [hbm4b:s2+s3], $0x80, v3, vm0, $0xb8;
	[tilespmem:$0x1C400] =	vst v63  }
0x82: {  	s17 =	simm.s32 $0x12C00  }
0x83: {  	[tilespmem:s17], [sflag:$0x5] =	stream.indirect_vreg.gather [hbm4b:s6+s3], $0x80, v3, vm0, $0xb8;
	[tilespmem:$0x1C400] =	vst v63  }
0x84: {  	s18 =	simm.s32 $0x13400  }
0x85: {  	[tilespmem:s18], [sflag:$0x5] =	stream.indirect_vreg.gather [hbm4b:s7+s3], $0x80, v3, vm0, $0xb8;
	[tilespmem:$0x1C400] =	vst v63  }
0x86: {  	s20 =	simm.s32 $0x13C00  }
0x87: {  	[tilespmem:s20], [sflag:$0x5] =	stream.indirect_vreg.gather [hbm4b:s9+s3], $0x80, v3, vm0, $0xb8;
	[tilespmem:$0x1C400] =	vst v63  }
0x88: {  	v3 =	vld [tilespmem:$0x50];
	_ =	sdelay $0x4  }
0x89: {  	v4 =	vshll.u32 v3, $0x3  }
0x8a: {  	v3 =	vand.u32 $0x7, v3;
	v4 =	vand.u32 $0xFFFFFFC0, v4  }
0x8b: {  	v3 =	vor.u32 v3, v4  }
0x8c: {  	v4 =	vperm.xlane v3, v0;
	_ =	sdelay $0x1  }
0x8d: {  	v4 =	vadd.s32 v1, v4;
	_ =	sdelay $0x4  }
0x8e: {  	[tilespmem:s21], [sflag:$0x6] =	stream.indirect_vreg.gather [hbm4b:s2+s3], $0x80, v4, vm0, $0xb8;
	[tilespmem:$0x1C400] =	vst v63  }
0x8f: {  	v3 =	vperm.xlane v3, v2;
	s21 =	simm.s32 $0x14C00  }
0x90: {  	[tilespmem:s21], [sflag:$0x6] =	stream.indirect_vreg.gather [hbm4b:s6+s3], $0x80, v4, vm0, $0xb8;
	[tilespmem:$0x1C400] =	vst v63  }
0x91: {  	s23 =	simm.s32 $0x15400;
	v3 =	vadd.s32 v1, v3  }
0x92: {  	[tilespmem:s23], [sflag:$0x6] =	stream.indirect_vreg.gather [hbm4b:s7+s3], $0x80, v4, vm0, $0xb8;
	[tilespmem:$0x1C400] =	vst v63  }
0x93: {  	s25 =	simm.s32 $0x15C00  }
0x94: {  	[tilespmem:s25], [sflag:$0x6] =	stream.indirect_vreg.gather [hbm4b:s9+s3], $0x80, v4, vm0, $0xb8;
	[tilespmem:$0x1C400] =	vst v63  }
0x95: {  	s29 =	simm.s32 $0x16400  }
0x96: {  	[tilespmem:s29], [sflag:$0x6] =	stream.indirect_vreg.gather [hbm4b:s2+s3], $0x80, v3, vm0, $0xb8;
	[tilespmem:$0x1C400] =	vst v63  }
0x97: {  	s4 =	simm.s32 $0x16C00  }
0x98: {  	[tilespmem:s4], [sflag:$0x6] =	stream.indirect_vreg.gather [hbm4b:s6+s3], $0x80, v3, vm0, $0xb8;
	[tilespmem:$0x1C400] =	vst v63  }
0x99: {  	s8 =	simm.s32 $0x17400  }
0x9a: {  	[tilespmem:s8], [sflag:$0x6] =	stream.indirect_vreg.gather [hbm4b:s7+s3], $0x80, v3, vm0, $0xb8;
	[tilespmem:$0x1C400] =	vst v63  }
0x9b: {  	s17 =	simm.s32 $0x17C00  }
0x9c: {  	[tilespmem:s17], [sflag:$0x6] =	stream.indirect_vreg.gather [hbm4b:s9+s3], $0x80, v3, vm0, $0xb8;
	[tilespmem:$0x1C400] =	vst v63  }
0x9d: {  	v3 =	vld [tilespmem:$0x60];
	_ =	sdelay $0x4  }
0x9e: {  	v4 =	vshll.u32 v3, $0x3  }
0x9f: {  	v3 =	vand.u32 $0x7, v3;
	v4 =	vand.u32 $0xFFFFFFC0, v4  }
0xa0: {  	v3 =	vor.u32 v3, v4  }
0xa1: {  	v4 =	vperm.xlane v3, v0;
	_ =	sdelay $0x1  }
0xa2: {  	v4 =	vadd.s32 v1, v4;
	_ =	sdelay $0x4  }
0xa3: {  	[tilespmem:s22], [sflag:$0x7] =	stream.indirect_vreg.gather [hbm4b:s2+s3], $0x80, v4, vm0, $0xb8;
	[tilespmem:$0x1C400] =	vst v63  }
0xa4: {  	s18 =	simm.s32 $0x18C00;
	v3 =	vperm.xlane v3, v2  }
0xa5: {  	[tilespmem:s18], [sflag:$0x7] =	stream.indirect_vreg.gather [hbm4b:s6+s3], $0x80, v4, vm0, $0xb8;
	[tilespmem:$0x1C400] =	vst v63  }
0xa6: {  	s20 =	simm.s32 $0x19400;
	v3 =	vadd.s32 v1, v3  }
0xa7: {  	[tilespmem:s20], [sflag:$0x7] =	stream.indirect_vreg.gather [hbm4b:s7+s3], $0x80, v4, vm0, $0xb8;
	[tilespmem:$0x1C400] =	vst v63  }
0xa8: {  	s21 =	simm.s32 $0x19C00  }
0xa9: {  	[tilespmem:s21], [sflag:$0x7] =	stream.indirect_vreg.gather [hbm4b:s9+s3], $0x80, v4, vm0, $0xb8;
	[tilespmem:$0x1C400] =	vst v63  }
0xaa: {  	s22 =	simm.s32 $0x1A400  }
0xab: {  	[tilespmem:s22], [sflag:$0x7] =	stream.indirect_vreg.gather [hbm4b:s2+s3], $0x80, v3, vm0, $0xb8;
	[tilespmem:$0x1C400] =	vst v63  }
0xac: {  	s23 =	simm.s32 $0x1AC00  }
0xad: {  	[tilespmem:s23], [sflag:$0x7] =	stream.indirect_vreg.gather [hbm4b:s6+s3], $0x80, v3, vm0, $0xb8;
	[tilespmem:$0x1C400] =	vst v63  }
0xae: {  	s25 =	simm.s32 $0x1B400  }
0xaf: {  	[tilespmem:s25], [sflag:$0x7] =	stream.indirect_vreg.gather [hbm4b:s7+s3], $0x80, v3, vm0, $0xb8;
	[tilespmem:$0x1C400] =	vst v63  }
0xb0: {  	s29 =	simm.s32 $0x1BC00;
	s4 =	simm.s32 $0xF;
	s8 =	smul.u32 $0x25, s1  }
0xb1: {  	[tilespmem:s29], [sflag:$0x7] =	stream.indirect_vreg.gather [hbm4b:s9+s3], $0x80, v3, vm0, $0xb8;
	[tilespmem:$0x1C400] =	vst v63  }
0xb2: {  	s0 =	sshrl.u32 s8, $0x8;
	s20 =	simm.s32 $0x0;
	_ =	swait.ge [sflag:s4], $0x380  }
0xb3: {  	s18 =	ssub.s32 $0x1, s0;
	s8 =	smul.u32 $0xFFFFFF93, s20;
	[sflag:s4] =	ssyncset.done $0x0  }
0xb4: {  	[sflag:s4] =	ssyncadd.s32 $0xFFFFFC80;
	s4 =	sand.u32 $0xFE, s18  }
0xb5: {  	s21 =	sshrl.u32 s8, $0x8;
	_ =	swait.ge [sflag:s1], $0x4000;
	s4 =	sshrl.u32 s4, $0x1  }
0xb6: {  	[sflag:s1] =	ssyncset.done $0x0;
	s17 =	rddreg [dreg:$0x6];
	s0 =	sadd.s32 s0, s4  }
0xb7: {  	s4 =	sadd.s32 $0x0, s21;
	[sflag:s1] =	ssyncadd.s32 $0xFFFFC000;
	s0 =	sand.u32 $0xFC, s0  }
0xb8: {  	[hbm4b:s17+s3] =	stream.linear.scatter [tilespmem:s16], [sflag:$0x8], $0x4000, $0x38;
	[tilespmem:$0x1C400] =	vst v63  }
0xb9: {  	s22 =	sand.u32 $0x80, s4;
	s4 =	sshll.u32 s4, $0x18;
	s0 =	sshrl.u32 s0, $0x2  }
0xba: {  	s8 =	sshrl.u32 s22, $0x7;
	s4 =	sshra.s32 s4, $0x1A;
	s0 =	smul.u32 $0x7, s0  }
0xbb: {  	s4 =	sadd.s32 s8, s4  }
0xbc: {  	s4 =	smul.u32 $0x7, s4;
	s0 =	ssub.s32 $0x1, s0  }
0xbd: {  	s0 =	sand.u32 $0xFF, s0  }
0xbe: {  	s16 =	simm.s32 $0x2;
	s4 =	ssub.s32 $0x0, s4;
	s23 =	sadd.s32 $0x1, s0  }
0xbf: {  	s29 =	sshll.u32 s0, $0xE;
	s4 =	sshll.u32 s4, $0x18;
	_ =	swait.ge [sflag:s23], $0x4000  }
0xc0: {  	s0 =	sor.u32 $0x8, s0;
	s25 =	sshra.s32 s4, $0x18;
	[sflag:s23] =	ssyncset.done $0x0  }
0xc1: {  	s18 =	sor.u32 $0x400, s29;
	s20 =	sadd.s32 $0x8, s25;
	[sflag:s23] =	ssyncadd.s32 $0xFFFFC000  }
0xc2: {  	[hbm4b:s24+s3] =	stream.linear.scatter [tilespmem:s18], [sflag:s0], $0x4000, $0x38;
	[tilespmem:$0x1C400] =	vst v63  }
0xc3: {  	s21 =	smul.u32 $0x25, s16;
	_ =	swait.ge [sflag:s20], $0x4000  }
0xc4: {  	[sflag:s20] =	ssyncset.done $0x0  }
0xc5: {  	s4 =	simm.s32 $0x70;
	s0 =	sshrl.u32 s21, $0x8;
	[sflag:s20] =	ssyncadd.s32 $0xFFFFC000  }
0xc6: {  	s22 =	ssub.s32 $0x2, s0;
	v3 =	vld [tilespmem:s4+$0x0]  }
0xc7: {  	s8 =	sand.u32 $0xFE, s22  }
0xc8: {  	s8 =	sshrl.u32 s8, $0x1  }
0xc9: {  	s0 =	sadd.s32 s0, s8  }
0xca: {  	s0 =	sand.u32 $0xFC, s0  }
0xcb: {  	s17 =	smov.u32 s24;
	s23 =	sshll.u32 s25, $0x10;
	s29 =	sshrl.u32 s0, $0x2;
	v4 =	vshll.u32 v3, $0x3  }
0xcc: {  	s22 =	simm.s32 $0x3;
	s0 =	sshra.s32 s23, $0x2;
	s8 =	smul.u32 $0x7, s29;
	v3 =	vand.u32 $0x7, v3;
	v4 =	vand.u32 $0xFFFFFFC0, v4  }
.LBB2_2:
0xcd: {  	s4 =	sadd.s32 $0x10, s4  }
0xce: {  	s17 =	sadd.s32 $0x800, s17;
	s18 =	smov.u32 s22;
	s29 =	sadd.s32 $0x1, s22  }
0xcf: {  	p0 =	sne.s32 s22, $0x39;
	v3 =	vor.u32 v3, v4;
	s8 =	ssub.s32 s16, s8  }
0xd0: {  	v4 =	vperm.xlane v3, v0;
	v3 =	vperm.xlane v3, v2;
	s22 =	sand.u32 $0xFF, s8  }
0xd1: {  	s8 =	sshll.u32 s22, $0xE  }
0xd2: {  	v4 =	vadd.s32 v1, v4  }
0xd3: {  	s21 =	sadd.s32 $0xFFFFFFFF, s16;
	s16 =	smov.u32 s18  }
0xd4: {  	s18 =	sshll.u32 s21, $0x18  }
0xd5: {  	s18 =	sshra.s32 s18, $0x18  }
0xd6: {  	s20 =	sor.u32 $0x400, s0;
	s25 =	sadd.s32 $0x1, s25;
	s18 =	smul.u32 $0xFFFFFF93, s18  }
0xd7: {  	[tilespmem:s20], [sflag:s25] =	stream.indirect_vreg.gather [hbm4b:s2+s3], $0x80, v4, vm0, $0xb8;
	[tilespmem:$0x1C400] =	vst v63  }
0xd8: {  	s18 =	sshrl.u32 s18, $0x8;
	s20 =	sor.u32 $0xC00, s0  }
0xd9: {  	[tilespmem:s20], [sflag:s25] =	stream.indirect_vreg.gather [hbm4b:s6+s3], $0x80, v4, vm0, $0xb8;
	[tilespmem:$0x1C400] =	vst v63  }
0xda: {  	v3 =	vadd.s32 v1, v3;
	s18 =	sadd.s32 s21, s18;
	s20 =	sor.u32 $0x1400, s0  }
0xdb: {  	[tilespmem:s20], [sflag:s25] =	stream.indirect_vreg.gather [hbm4b:s7+s3], $0x80, v4, vm0, $0xb8;
	[tilespmem:$0x1C400] =	vst v63  }
0xdc: {  	s23 =	sor.u32 $0x1C00, s0;
	s20 =	sand.u32 $0x80, s18;
	s18 =	sshll.u32 s18, $0x18  }
0xdd: {  	[tilespmem:s23], [sflag:s25] =	stream.indirect_vreg.gather [hbm4b:s9+s3], $0x80, v4, vm0, $0xb8;
	[tilespmem:$0x1C400] =	vst v63  }
0xde: {  	s20 =	sshrl.u32 s20, $0x7;
	s18 =	sshra.s32 s18, $0x1A;
	s23 =	sor.u32 $0x2400, s0  }
0xdf: {  	[tilespmem:s23], [sflag:s25] =	stream.indirect_vreg.gather [hbm4b:s2+s3], $0x80, v3, vm0, $0xb8;
	[tilespmem:$0x1C400] =	vst v63  }
0xe0: {  	s18 =	sadd.s32 s20, s18;
	s20 =	sor.u32 $0x2C00, s0  }
0xe1: {  	[tilespmem:s20], [sflag:s25] =	stream.indirect_vreg.gather [hbm4b:s6+s3], $0x80, v3, vm0, $0xb8;
	[tilespmem:$0x1C400] =	vst v63  }
0xe2: {  	s18 =	smul.u32 $0x7, s18;
	s20 =	sor.u32 $0x3400, s0  }
0xe3: {  	[tilespmem:s20], [sflag:s25] =	stream.indirect_vreg.gather [hbm4b:s7+s3], $0x80, v3, vm0, $0xb8;
	[tilespmem:$0x1C400] =	vst v63  }
0xe4: {  	s18 =	ssub.s32 s21, s18;
	s0 =	sor.u32 $0x3C00, s0;
	s20 =	sadd.s32 $0x1, s22  }
0xe5: {  	[tilespmem:s0], [sflag:s25] =	stream.indirect_vreg.gather [hbm4b:s9+s3], $0x80, v3, vm0, $0xb8;
	[tilespmem:$0x1C400] =	vst v63  }
0xe6: {  	s18 =	sshll.u32 s18, $0x18;
	s0 =	smul.u32 $0x25, s16;
	_ =	swait.ge [sflag:s20], $0x4000  }
0xe7: {  	s21 =	sor.u32 $0x8, s22;
	s25 =	sshra.s32 s18, $0x18;
	[sflag:s20] =	ssyncset.done $0x0  }
0xe8: {  	s8 =	sor.u32 $0x400, s8;
	s18 =	sadd.s32 $0x8, s25;
	[sflag:s20] =	ssyncadd.s32 $0xFFFFC000  }
0xe9: {  	[hbm4b:s17+s3] =	stream.linear.scatter [tilespmem:s8], [sflag:s21], $0x4000, $0x38;
	[tilespmem:$0x1C400] =	vst v63  }
0xea: {  	s8 =	sshll.u32 s25, $0x10;
	_ =	swait.ge [sflag:s18], $0x4000  }
0xeb: {  	s20 =	sshrl.u32 s0, $0x8;
	s0 =	sshra.s32 s8, $0x2;
	[sflag:s18] =	ssyncset.done $0x0  }
0xec: {  	s8 =	ssub.s32 s16, s20;
	[sflag:s18] =	ssyncadd.s32 $0xFFFFC000  }
0xed: {  	s8 =	sand.u32 $0xFE, s8;
	v4 =	vld [tilespmem:s4+$0x0]  }
0xee: {  	s8 =	sshrl.u32 s8, $0x1  }
.Ltmp0:
0xef: {  	s8 =	sadd.s32 s20, s8;
	(pc) =	sbr.rel @p0 .LBB2_2-.Ltmp0, $4  }
0xf0: {  	_ = 	snop  }
0xf1: {  	s8 =	sand.u32 $0xFC, s8  }
0xf2: {  	s8 =	sshrl.u32 s8, $0x2;
	v3 =	vand.u32 $0x7, v4;
	v4 =	vshll.u32 v4, $0x3  }
0xf3: {  	s22 =	smov.u32 s29;
	s8 =	smul.u32 $0x7, s8;
	v4 =	vand.u32 $0xFFFFFFC0, v4  }
0xf4: {  	v3 =	vor.u32 v3, v4  }
0xf5: {  	v4 =	vperm.xlane v3, v0;
	_ =	sdelay $0x1  }
0xf6: {  	v4 =	vadd.s32 v1, v4;
	_ =	sdelay $0x3  }
0xf7: {  	s18 =	sor.u32 $0x400, s0;
	s20 =	sadd.s32 $0x1, s25  }
0xf8: {  	[tilespmem:s18], [sflag:s20] =	stream.indirect_vreg.gather [hbm4b:s2+s3], $0x80, v4, vm0, $0xb8;
	[tilespmem:$0x1C400] =	vst v63  }
0xf9: {  	s23 =	sor.u32 $0xC00, s0  }
0xfa: {  	v3 =	vperm.xlane v3, v2;
	[tilespmem:s23], [sflag:s20] =	stream.indirect_vreg.gather [hbm4b:s6+s3], $0x80, v4, vm0, $0xb8;
	[tilespmem:$0x1C400] =	vst v63  }
0xfb: {  	s25 =	sor.u32 $0x1400, s0;
	s18 =	sadd.s32 $0xFFFFFFFF, s16  }
0xfc: {  	v3 =	vadd.s32 v1, v3;
	[tilespmem:s25], [sflag:s20] =	stream.indirect_vreg.gather [hbm4b:s7+s3], $0x80, v4, vm0, $0xb8;
	[tilespmem:$0x1C400] =	vst v63  }
0xfd: {  	s21 =	sor.u32 $0x1C00, s0;
	s29 =	sshll.u32 s18, $0x18  }
0xfe: {  	[tilespmem:s21], [sflag:s20] =	stream.indirect_vreg.gather [hbm4b:s9+s3], $0x80, v4, vm0, $0xb8;
	[tilespmem:$0x1C400] =	vst v63  }
0xff: {  	s21 =	sshra.s32 s29, $0x18  }
0x100: {  	s22 =	sor.u32 $0x2400, s0;
	s21 =	smul.u32 $0xFFFFFF93, s21  }
0x101: {  	[tilespmem:s22], [sflag:s20] =	stream.indirect_vreg.gather [hbm4b:s2+s3], $0x80, v3, vm0, $0xb8;
	[tilespmem:$0x1C400] =	vst v63  }
0x102: {  	s23 =	sor.u32 $0x2C00, s0;
	s29 =	sshrl.u32 s21, $0x8  }
0x103: {  	[tilespmem:s23], [sflag:s20] =	stream.indirect_vreg.gather [hbm4b:s6+s3], $0x80, v3, vm0, $0xb8;
	[tilespmem:$0x1C400] =	vst v63  }
0x104: {  	s8 =	ssub.s32 s16, s8;
	s16 =	sadd.s32 s18, s29  }
0x105: {  	s25 =	sor.u32 $0x3400, s0;
	s22 =	sand.u32 $0x80, s16;
	s16 =	sshll.u32 s16, $0x18  }
0x106: {  	[tilespmem:s25], [sflag:s20] =	stream.indirect_vreg.gather [hbm4b:s7+s3], $0x80, v3, vm0, $0xb8;
	[tilespmem:$0x1C400] =	vst v63  }
0x107: {  	s21 =	sor.u32 $0x3C00, s0;
	s0 =	sshrl.u32 s22, $0x7;
	s16 =	sshra.s32 s16, $0x1A  }
0x108: {  	s8 =	sand.u32 $0xFF, s8;
	s0 =	sadd.s32 s0, s16  }
0x109: {  	[tilespmem:s21], [sflag:s20] =	stream.indirect_vreg.gather [hbm4b:s9+s3], $0x80, v3, vm0, $0xb8;
	[tilespmem:$0x1C400] =	vst v63  }
0x10a: {  	s23 =	sadd.s32 $0x1, s8;
	s0 =	smul.u32 $0x7, s0  }
0x10b: {  	s29 =	sshll.u32 s8, $0xE;
	s8 =	sor.u32 $0x8, s8;
	_ =	swait.ge [sflag:s23], $0x4000  }
0x10c: {  	s25 =	sadd.s32 $0x800, s17;
	[sflag:s23] =	ssyncset.done $0x0;
	s0 =	ssub.s32 s18, s0  }
0x10d: {  	s17 =	sor.u32 $0x400, s29;
	[sflag:s23] =	ssyncadd.s32 $0xFFFFC000;
	s0 =	sshll.u32 s0, $0x18  }
0x10e: {  	[hbm4b:s25+s3] =	stream.linear.scatter [tilespmem:s17], [sflag:s8], $0x4000, $0x38;
	[tilespmem:$0x1C400] =	vst v63  }
0x10f: {  	s0 =	sshra.s32 s0, $0x18  }
0x110: {  	s17 =	sadd.s32 $0x8, s0  }
0x111: {  	_ =	swait.ge [sflag:s17], $0x4000  }
0x112: {  	[sflag:s17] =	ssyncset.done $0x0  }
0x113: {  	s4 =	sadd.s32 $0x10, s4;
	[sflag:s17] =	ssyncadd.s32 $0xFFFFC000  }
0x114: {  	v3 =	vld [tilespmem:s4+$0x0];
	_ =	sdelay $0x4  }
0x115: {  	v63 =	vshll.u32 v3, $0x3  }
0x116: {  	v3 =	vand.u32 $0x7, v3;
	v4 =	vand.u32 $0xFFFFFFC0, v63  }
0x117: {  	v3 =	vor.u32 v3, v4  }
0x118: {  	v4 =	vperm.xlane v3, v0;
	_ =	sdelay $0x1  }
0x119: {  	v4 =	vadd.s32 v1, v4;
	_ =	sdelay $0x1  }
0x11a: {  	s18 =	sshll.u32 s0, $0x10  }
0x11b: {  	s4 =	sshra.s32 s18, $0x2  }
0x11c: {  	s0 =	sadd.s32 $0x1, s0;
	s20 =	sor.u32 $0x400, s4  }
0x11d: {  	[tilespmem:s20], [sflag:s0] =	stream.indirect_vreg.gather [hbm4b:s2+s3], $0x80, v4, vm0, $0xb8;
	[tilespmem:$0x1C400] =	vst v63  }
0x11e: {  	s21 =	sor.u32 $0xC00, s4;
	v3 =	vperm.xlane v3, v2  }
0x11f: {  	[tilespmem:s21], [sflag:s0] =	stream.indirect_vreg.gather [hbm4b:s6+s3], $0x80, v4, vm0, $0xb8;
	[tilespmem:$0x1C400] =	vst v63  }
0x120: {  	s22 =	sor.u32 $0x1400, s4;
	v3 =	vadd.s32 v1, v3  }
0x121: {  	[tilespmem:s22], [sflag:s0] =	stream.indirect_vreg.gather [hbm4b:s7+s3], $0x80, v4, vm0, $0xb8;
	[tilespmem:$0x1C400] =	vst v63  }
0x122: {  	s23 =	sor.u32 $0x1C00, s4  }
0x123: {  	[tilespmem:s23], [sflag:s0] =	stream.indirect_vreg.gather [hbm4b:s9+s3], $0x80, v4, vm0, $0xb8;
	[tilespmem:$0x1C400] =	vst v63  }
0x124: {  	s25 =	sor.u32 $0x2400, s4  }
0x125: {  	[tilespmem:s25], [sflag:s0] =	stream.indirect_vreg.gather [hbm4b:s2+s3], $0x80, v3, vm0, $0xb8;
	[tilespmem:$0x1C400] =	vst v63  }
0x126: {  	s29 =	sor.u32 $0x2C00, s4  }
0x127: {  	[tilespmem:s29], [sflag:s0] =	stream.indirect_vreg.gather [hbm4b:s6+s3], $0x80, v3, vm0, $0xb8;
	[tilespmem:$0x1C400] =	vst v63  }
0x128: {  	s16 =	sor.u32 $0x3400, s4  }
0x129: {  	[tilespmem:s16], [sflag:s0] =	stream.indirect_vreg.gather [hbm4b:s7+s3], $0x80, v3, vm0, $0xb8;
	[tilespmem:$0x1C400] =	vst v63  }
0x12a: {  	s17 =	simm.s32 $0x3;
	s4 =	sor.u32 $0x3C00, s4  }
0x12b: {  	[tilespmem:s4], [sflag:s0] =	stream.indirect_vreg.gather [hbm4b:s9+s3], $0x80, v3, vm0, $0xb8;
	[tilespmem:$0x1C400] =	vst v63  }
0x12c: {  	_ =	swait.ge [sflag:s17], $0x4000  }
0x12d: {  	[sflag:s17] =	ssyncset.done $0x0  }
0x12e: {  	s18 =	rddreg [dreg:$0x8];
	[sflag:s17] =	ssyncadd.s32 $0xFFFFC000;
	s17 =	simm.s32 $0x8400  }
0x12f: {  	[hbm4b:s18+s3] =	stream.linear.scatter [tilespmem:s17], [sflag:$0xA], $0x4000, $0x38;
	[tilespmem:$0x1C400] =	vst v63  }
0x130: {  	_ =	swait.ge [sflag:s26], $0x4000  }
0x131: {  	[sflag:s26] =	ssyncset.done $0x0  }
0x132: {  	s18 =	simm.s32 $0xC400;
	s20 =	rddreg [dreg:$0x9];
	[sflag:s26] =	ssyncadd.s32 $0xFFFFC000  }
0x133: {  	[hbm4b:s20+s3] =	stream.linear.scatter [tilespmem:s18], [sflag:$0xB], $0x4000, $0x38;
	[tilespmem:$0x1C400] =	vst v63  }
0x134: {  	_ =	swait.ge [sflag:s28], $0x4000  }
0x135: {  	[sflag:s28] =	ssyncset.done $0x0  }
0x136: {  	s20 =	simm.s32 $0x10400;
	s21 =	rddreg [dreg:$0xa];
	[sflag:s28] =	ssyncadd.s32 $0xFFFFC000  }
0x137: {  	[hbm4b:s21+s3] =	stream.linear.scatter [tilespmem:s20], [sflag:$0xC], $0x4000, $0x38;
	[tilespmem:$0x1C400] =	vst v63  }
0x138: {  	_ =	swait.ge [sflag:s30], $0x4000  }
0x139: {  	[sflag:s30] =	ssyncset.done $0x0  }
0x13a: {  	s21 =	simm.s32 $0x14400;
	s22 =	rddreg [dreg:$0xb];
	[sflag:s30] =	ssyncadd.s32 $0xFFFFC000  }
0x13b: {  	[hbm4b:s22+s3] =	stream.linear.scatter [tilespmem:s21], [sflag:$0xD], $0x4000, $0x38;
	[tilespmem:$0x1C400] =	vst v63  }
0x13c: {  	_ =	swait.ge [sflag:s31], $0x4000  }
0x13d: {  	[sflag:s31] =	ssyncset.done $0x0  }
0x13e: {  	s22 =	simm.s32 $0x18400;
	s23 =	rddreg [dreg:$0xc];
	[sflag:s31] =	ssyncadd.s32 $0xFFFFC000  }
0x13f: {  	[hbm4b:s23+s3] =	stream.linear.scatter [tilespmem:s22], [sflag:$0xE], $0x4000, $0x38;
	[tilespmem:$0x1C400] =	vst v63  }
0x140: {  	_ =	swait.ge [sflag:s1], $0x4000  }
0x141: {  	[sflag:s1] =	ssyncset.done $0x0  }
0x142: {  	s16 =	simm.s32 $0x400;
	s25 =	rddreg [dreg:$0xd];
	[sflag:s1] =	ssyncadd.s32 $0xFFFFC000  }
0x143: {  	[hbm4b:s25+s3] =	stream.linear.scatter [tilespmem:s16], [sflag:$0x8], $0x4000, $0x38;
	[tilespmem:$0x1C400] =	vst v63  }
0x144: {  	_ =	swait.ge [sflag:s19], $0x4000  }
0x145: {  	[sflag:s19] =	ssyncset.done $0x0  }
0x146: {  	[sflag:s19] =	ssyncadd.s32 $0xFFFFC000  }
0x147: {  	_ =	swait.ge [sflag:s5], $0x4000  }
0x148: {  	[sflag:s5] =	ssyncset.done $0x0  }
0x149: {  	[sflag:s5] =	ssyncadd.s32 $0xFFFFC000  }
0x14a: {  	_ =	swait.ge [sflag:s10], $0x4000  }
0x14b: {  	[sflag:s10] =	ssyncset.done $0x0  }
0x14c: {  	[sflag:s10] =	ssyncadd.s32 $0xFFFFC000  }
0x14d: {  	_ =	swait.ge [sflag:s11], $0x4000  }
0x14e: {  	[sflag:s11] =	ssyncset.done $0x0  }
0x14f: {  	[sflag:s11] =	ssyncadd.s32 $0xFFFFC000  }
0x150: {  	_ =	swait.ge [sflag:s12], $0x4000  }
0x151: {  	[sflag:s12] =	ssyncset.done $0x0  }
0x152: {  	[sflag:s12] =	ssyncadd.s32 $0xFFFFC000  }
0x153: {  	_ =	swait.ge [sflag:s13], $0x4000  }
0x154: {  	[sflag:s13] =	ssyncset.done $0x0  }
0x155: {  	[sflag:s13] =	ssyncadd.s32 $0xFFFFC000  }
0x156: {  	_ =	swait.ge [sflag:s14], $0x4000  }
0x157: {  	s15 =	sadd.s32 $0x1, s15;
	s29 =	rddreg [dreg:$0x7]  }
0x158: {  	p0 =	sne.s32 s15, s29  }
.Ltmp1:
0x159: {  	_ = 	snop;
	(pc) =	sbr.rel @p0 .LBB2_1-.Ltmp1, $3  }
0x15a: {  	_ =	sdelay $0x1  }
0x15b: {  	[sflag:s14] =	ssyncset.done $0x0  }
0x15c: {  	[sflag:s14] =	ssyncadd.s32 $0xFFFFC000  }
0x15d: {  	_ =	sfence.sel $0x180000  }
0x15e: {  	[bflag:$0x0] =	sbarrier.arrive $0xFFFF  }
0x15f: {  	_ =	strace $0x90000047  }
0x160: {  	s0 =	stileid.u32;
	[bflag:$0x2] =	sbarrier.arrive $0xFFFF  }
0x161: {  	p0 =	sne.s32 s0, $0x0;
	s0 =	rddreg [dreg:$0x3]  }
0x162: {  	s0 =	sadd.s32 @!p0 $0x100000, s0  }
0x163: {  	[sflag:s0] =	ssyncadd.tile.s32 @!p0 $0x1;
	_ =	shalt  }
.Lfunc_end2:
_tile_overlayer_lowered:
.L_overlay_start_2:
0x164: {  	(tag) =	ssettag $0x2  }
0x165: {  	s0 =	rddreg [dreg:$0x0];
	s2 =	stileid.u32  }
0x166: {  	s1 =	rddreg [dreg:$0x1];
	p0 =	sne.s32 s2, $0x0  }
0x167: {  	s3 =	rddreg [dreg:$0x2];
	[bflag:$0x3] =	sbarrier.arrive $0xFFFF;
	s2 =	simm.s32 @!p0 $0x1C10  }
0x168: {  	[timem:s3], [sflag:s2] =	dma.local @!p0 [hbm:s0], s1  }
0x169: {  	s0 =	simm.s32 @!p0 $0x10  }
0x16a: {  	_ =	swait.ge @!p0 [sflag:s0], s1  }
0x16b: {  	s1 =	ssub.s32 @!p0 $0x0, s1;
	[sflag:s0] =	ssyncset.done @!p0 $0x0  }
0x16c: {  	[sflag:s0] =	ssyncadd.s32 @!p0 s1  }
0x16d: {  	[bflag:$0x3] =	sbarrier.arrive $0xFFFF  }
0x16e: {  	_ =	shalt  }

</sc_bundles>
